<compile_context>
chip_gen: v7x
topology: tpu7x:2x2x1
jax: 0.10.2.dev20260603
libtpu: 0.0.44.dev20260713+nightly
codegen_flags: <defaults>
</compile_context>

<pallas_src>
import functools

import jax
import jax.numpy as jnp
from jax import lax
from jax.experimental import pallas as pl
from jax.experimental.pallas import tpu as pltpu
from jax.experimental.pallas import tpu_sc as plsc

NC = 2
NS = 16
NW = NC * NS

NB = 16384
F = 26
D = 32
DP = 128
VOC = 1000000
IPW = NB // NW
IG = 8
NG = IPW // IG


@functools.cache
def _build_gather_kernel():
    mesh = plsc.VectorSubcoreMesh(core_axis_name="c", subcore_axis_name="s")

    @functools.partial(
        pl.kernel,
        out_type=jax.ShapeDtypeStruct((NB, 32, 128), jnp.float32),
        mesh=mesh,
        compiler_params=pltpu.CompilerParams(use_tc_tiling_on_sc=False),
        scratch_types=[
            pltpu.VMEM((IPW, F), jnp.int32),
            pltpu.VMEM((2, IG, F, D), jnp.float32),
            pltpu.SemaphoreType.DMA,
            pltpu.SemaphoreType.DMA,
            pltpu.SemaphoreType.DMA,
            pltpu.SemaphoreType.DMA,
        ],
    )
    def gather_kernel(idx_hbm, table_hbm, out_hbm, idx_v, rows_v,
                      gsem0, gsem1, wsem0, wsem1):
        gsems = (gsem0, gsem1)
        wsems = (wsem0, wsem1)
        wid = lax.axis_index("s") * NC + lax.axis_index("c")
        pltpu.sync_copy(idx_hbm.at[pl.ds(wid * IPW, IPW)], idx_v)
        i_base0 = wid * IPW

        def fire(g, buf):
            for l in range(IG):
                pltpu.async_copy(
                    table_hbm.at[idx_v.at[g * IG + l]],
                    rows_v.at[buf].at[l],
                    gsems[buf],
                )

        def drain_gathers(buf):
            pltpu.make_async_copy(
                out_hbm.at[pl.ds(0, IG), pl.ds(0, F), pl.ds(0, D)],
                rows_v.at[buf],
                gsems[buf],
            ).wait()

        def start_write(g, buf):
            pltpu.async_copy(
                rows_v.at[buf],
                out_hbm.at[pl.ds(i_base0 + g * IG, IG), pl.ds(0, F),
                           pl.ds(0, D)],
                wsems[buf],
            )

        def wait_write(buf):
            pltpu.make_async_copy(
                rows_v.at[buf],
                out_hbm.at[pl.ds(0, IG), pl.ds(0, F), pl.ds(0, D)],
                wsems[buf],
            ).wait()

        def step(g, buf, first=False, last=False):
            if not last:
                if not first:
                    wait_write(1 - buf)
                fire(g + 1, 1 - buf)
            drain_gathers(buf)
            start_write(g, buf)

        fire(0, 0)
        step(0, 0, first=True)
        pl.loop(1, NG - 1, step=2, unroll=1)(
            lambda g: (step(g, 1), step(g + 1, 0)) and None
        )
        step(NG - 1, 1, last=True)

        wait_write(0)
        wait_write(1)

    return gather_kernel


def kernel(indices, parameter):
    table_view = jnp.pad(parameter, ((0, 0), (0, DP - D))).reshape(4 * VOC, D)
    out = _build_gather_kernel()(indices * 4, table_view)
    return out[:, :F, :D]

# --- scband reference (transcript-rebuilt; emitter-appended) ---
"""Pipeline reference for scband-trainable-parameter-layer-65644280152701 (READ-ONLY COPY).

The authoritative reference and input builder live on the scoring server;
editing this copy changes nothing except your own understanding.
"""

import jax, jax.numpy as jnp
import numpy as np


def setup_inputs(seed: int = 0) -> dict:
    key = jax.random.key(seed)
    k1, k2 = jax.random.split(key)
    indices = jax.random.randint(k1, (16384, 26), 0, 1000000).astype(jnp.int32)
    # xavier_uniform for shape (1000000, 32): bound = sqrt(6/(fan_in+fan_out))
    bound = float(np.sqrt(6.0 / (1000000 + 32)))
    parameter = jax.random.uniform(k2, (1000000, 32), dtype=jnp.float32, minval=-bound, maxval=bound)
    return {"indices": indices, "parameter": parameter}


def reference(indices, parameter):
    # Faithful translation of: return self.parameter[indices]
    return jnp.take(parameter, indices, axis=0)

if __name__ == "__main__":
    import jax
    _d = setup_inputs()
    print(jax.jit(kernel)(*tuple(_d.values())))

</pallas_src>

<mosaic_0001>
#map = affine_map<(d0, d1) -> (0, 0)>
#map1 = affine_map<(d0, d1) -> (0, 0, 0)>
module attributes {stable_mosaic.version = 14 : i64} {
  func.func @gather_kernel(%arg0: i32, %arg1: i32, %arg2: memref<16384x26xi32, #tpu.memory_space<hbm>>, %arg3: memref<4000000x32xf32, #tpu.memory_space<hbm>>, %arg4: memref<16384x32x128xf32, #tpu.memory_space<hbm>>, %arg5: memref<512x26xi32, #tpu.memory_space<vmem>>, %arg6: memref<2x8x26x32xf32, #tpu.memory_space<vmem>>, %arg7: memref<!tpu.dma_semaphore, #tpu.memory_space<semaphore_mem>>, %arg8: memref<!tpu.dma_semaphore, #tpu.memory_space<semaphore_mem>>, %arg9: memref<!tpu.dma_semaphore, #tpu.memory_space<semaphore_mem>>, %arg10: memref<!tpu.dma_semaphore, #tpu.memory_space<semaphore_mem>>) attributes {dimension_semantics = [#tpu.dimension_semantics<core_parallel>, #tpu.dimension_semantics<subcore_parallel>], iteration_bounds = array<i64: 2, 16>, scalar_prefetch = 0 : i64, scratch_operands = 6 : i64, tpu.core_type = #tpu.core_type<sc_vector_subcore>, window_params = [{transform_indices = #map}, {transform_indices = #map}, {transform_indices = #map1}]} {
    %mul3A = arith.constant 2 : i32
    %mul3A_0 = arith.muli %arg1, %mul3A : i32
    %add3A = arith.addi %mul3A_0, %arg0 : i32
    %mul3A_1 = arith.constant 512 : i32
    %mul3A_2 = arith.muli %add3A, %mul3A_1 : i32
    "tpu.region"() ({
      %run_scoped3A = tpu.sem_alloc : memref<!tpu.dma_semaphore, #tpu.memory_space<semaphore_mem>>
      %dma_start3A_409 = arith.constant 0 : i32
      %dma_start3A_410 = tpu.memref_slice %arg2[%mul3A_2, %dma_start3A_409] : memref<16384x26xi32, #tpu.memory_space<hbm>> -> memref<512x26xi32, #tpu.memory_space<hbm>>
      %dma_start3A_411 = arith.constant 0 : i32
      %dma_start3A_412 = tpu.memref_slice %arg2[%mul3A_2, %dma_start3A_411] : memref<16384x26xi32, #tpu.memory_space<hbm>> -> memref<512x26xi32, #tpu.memory_space<hbm>>
      tpu.enqueue_dma source(%dma_start3A_412 : memref<512x26xi32, #tpu.memory_space<hbm>>) target(%arg5 : memref<512x26xi32, #tpu.memory_space<vmem>>) target_semaphore(%run_scoped3A : memref<!tpu.dma_semaphore, #tpu.memory_space<semaphore_mem>>)
      %dma_wait3A_413 = arith.constant 0 : i32
      %dma_wait3A_414 = tpu.memref_slice %arg2[%mul3A_2, %dma_wait3A_413] : memref<16384x26xi32, #tpu.memory_space<hbm>> -> memref<512x26xi32, #tpu.memory_space<hbm>>
      %dma_wait3A_415 = arith.constant 0 : i32
      %dma_wait3A_416 = tpu.memref_slice %arg2[%mul3A_2, %dma_wait3A_415] : memref<16384x26xi32, #tpu.memory_space<hbm>> -> memref<512x26xi32, #tpu.memory_space<hbm>>
      tpu.wait_dma2 semaphore(%run_scoped3A : memref<!tpu.dma_semaphore, #tpu.memory_space<semaphore_mem>>) src(%dma_wait3A_416 : memref<512x26xi32, #tpu.memory_space<hbm>>) dst(%arg5 : memref<512x26xi32, #tpu.memory_space<vmem>>)
      tpu.yield
    }) : () -> ()
    %mul3A_3 = arith.constant 512 : i32
    %mul3A_4 = arith.muli %add3A, %mul3A_3 : i32
    %dma_start3A = arith.constant 0 : i32
    %dma_start3A_5 = arith.constant 0 : i32
    %dma_start3A_6 = arith.constant 0 : i32
    %dma_start3A_7 = arith.constant 0 : i32
    %dma_start3A_8 = arith.constant 0 : i32
    %dma_start3A_9 = arith.constant 0 : i32
    %dma_start3A_10 = tpu.memref_slice %arg6[%dma_start3A_5, %dma_start3A_7, %dma_start3A_8, %dma_start3A_9] : memref<2x8x26x32xf32, #tpu.memory_space<vmem>> -> memref<1x8x26x32xf32, #tpu.memory_space<vmem>>
    %dma_start3A_11 = tpu.memref_squeeze %dma_start3A_10 : memref<1x8x26x32xf32, #tpu.memory_space<vmem>> -> memref<8x26x32xf32, #tpu.memory_space<vmem>>
    %dma_start3A_12 = arith.constant 0 : i32
    %dma_start3A_13 = arith.constant 0 : i32
    %dma_start3A_14 = tpu.memref_slice %dma_start3A_11[%dma_start3A_6, %dma_start3A_12, %dma_start3A_13] : memref<8x26x32xf32, #tpu.memory_space<vmem>> -> memref<1x26x32xf32, #tpu.memory_space<vmem>>
    %dma_start3A_15 = tpu.memref_squeeze %dma_start3A_14 : memref<1x26x32xf32, #tpu.memory_space<vmem>> -> memref<26x32xf32, #tpu.memory_space<vmem>>
    %dma_start3A_16 = arith.constant 0 : i32
    %dma_start3A_17 = tpu.memref_slice %arg5[%dma_start3A, %dma_start3A_16] : memref<512x26xi32, #tpu.memory_space<vmem>> -> memref<1x26xi32, #tpu.memory_space<vmem>>
    %dma_start3A_18 = tpu.memref_squeeze %dma_start3A_17 : memref<1x26xi32, #tpu.memory_space<vmem>> -> memref<26xi32, #tpu.memory_space<vmem>>
    %dma_start3A_19 = arith.constant 0 : i32
    %dma_start3A_20 = arith.constant 0 : i32
    %dma_start3A_21 = tpu.memref_slice %arg3[%dma_start3A_19, %dma_start3A_20] : memref<4000000x32xf32, #tpu.memory_space<hbm>> -> memref<4000000x32xf32, #tpu.memory_space<hbm>>
    tpu.enqueue_indirect_dma source(%dma_start3A_21 : memref<4000000x32xf32, #tpu.memory_space<hbm>>) target(%dma_start3A_15 : memref<26x32xf32, #tpu.memory_space<vmem>>) offsets(%dma_start3A_18 : memref<26xi32, #tpu.memory_space<vmem>>) semaphore(%arg7 : memref<!tpu.dma_semaphore, #tpu.memory_space<semaphore_mem>>)
    %dma_start3A_22 = arith.constant 1 : i32
    %dma_start3A_23 = arith.constant 0 : i32
    %dma_start3A_24 = arith.constant 1 : i32
    %dma_start3A_25 = arith.constant 0 : i32
    %dma_start3A_26 = arith.constant 0 : i32
    %dma_start3A_27 = arith.constant 0 : i32
    %dma_start3A_28 = tpu.memref_slice %arg6[%dma_start3A_23, %dma_start3A_25, %dma_start3A_26, %dma_start3A_27] : memref<2x8x26x32xf32, #tpu.memory_space<vmem>> -> memref<1x8x26x32xf32, #tpu.memory_space<vmem>>
    %dma_start3A_29 = tpu.memref_squeeze %dma_start3A_28 : memref<1x8x26x32xf32, #tpu.memory_space<vmem>> -> memref<8x26x32xf32, #tpu.memory_space<vmem>>
    %dma_start3A_30 = arith.constant 0 : i32
    %dma_start3A_31 = arith.constant 0 : i32
    %dma_start3A_32 = tpu.memref_slice %dma_start3A_29[%dma_start3A_24, %dma_start3A_30, %dma_start3A_31] : memref<8x26x32xf32, #tpu.memory_space<vmem>> -> memref<1x26x32xf32, #tpu.memory_space<vmem>>
    %dma_start3A_33 = tpu.memref_squeeze %dma_start3A_32 : memref<1x26x32xf32, #tpu.memory_space<vmem>> -> memref<26x32xf32, #tpu.memory_space<vmem>>
    %dma_start3A_34 = arith.constant 0 : i32
    %dma_start3A_35 = tpu.memref_slice %arg5[%dma_start3A_22, %dma_start3A_34] : memref<512x26xi32, #tpu.memory_space<vmem>> -> memref<1x26xi32, #tpu.memory_space<vmem>>
    %dma_start3A_36 = tpu.memref_squeeze %dma_start3A_35 : memref<1x26xi32, #tpu.memory_space<vmem>> -> memref<26xi32, #tpu.memory_space<vmem>>
    %dma_start3A_37 = arith.constant 0 : i32
    %dma_start3A_38 = arith.constant 0 : i32
    %dma_start3A_39 = tpu.memref_slice %arg3[%dma_start3A_37, %dma_start3A_38] : memref<4000000x32xf32, #tpu.memory_space<hbm>> -> memref<4000000x32xf32, #tpu.memory_space<hbm>>
    tpu.enqueue_indirect_dma source(%dma_start3A_39 : memref<4000000x32xf32, #tpu.memory_space<hbm>>) target(%dma_start3A_33 : memref<26x32xf32, #tpu.memory_space<vmem>>) offsets(%dma_start3A_36 : memref<26xi32, #tpu.memory_space<vmem>>) semaphore(%arg7 : memref<!tpu.dma_semaphore, #tpu.memory_space<semaphore_mem>>)
    %dma_start3A_40 = arith.constant 2 : i32
    %dma_start3A_41 = arith.constant 0 : i32
    %dma_start3A_42 = arith.constant 2 : i32
    %dma_start3A_43 = arith.constant 0 : i32
    %dma_start3A_44 = arith.constant 0 : i32
    %dma_start3A_45 = arith.constant 0 : i32
    %dma_start3A_46 = tpu.memref_slice %arg6[%dma_start3A_41, %dma_start3A_43, %dma_start3A_44, %dma_start3A_45] : memref<2x8x26x32xf32, #tpu.memory_space<vmem>> -> memref<1x8x26x32xf32, #tpu.memory_space<vmem>>
    %dma_start3A_47 = tpu.memref_squeeze %dma_start3A_46 : memref<1x8x26x32xf32, #tpu.memory_space<vmem>> -> memref<8x26x32xf32, #tpu.memory_space<vmem>>
    %dma_start3A_48 = arith.constant 0 : i32
    %dma_start3A_49 = arith.constant 0 : i32
    %dma_start3A_50 = tpu.memref_slice %dma_start3A_47[%dma_start3A_42, %dma_start3A_48, %dma_start3A_49] : memref<8x26x32xf32, #tpu.memory_space<vmem>> -> memref<1x26x32xf32, #tpu.memory_space<vmem>>
    %dma_start3A_51 = tpu.memref_squeeze %dma_start3A_50 : memref<1x26x32xf32, #tpu.memory_space<vmem>> -> memref<26x32xf32, #tpu.memory_space<vmem>>
    %dma_start3A_52 = arith.constant 0 : i32
    %dma_start3A_53 = tpu.memref_slice %arg5[%dma_start3A_40, %dma_start3A_52] : memref<512x26xi32, #tpu.memory_space<vmem>> -> memref<1x26xi32, #tpu.memory_space<vmem>>
    %dma_start3A_54 = tpu.memref_squeeze %dma_start3A_53 : memref<1x26xi32, #tpu.memory_space<vmem>> -> memref<26xi32, #tpu.memory_space<vmem>>
    %dma_start3A_55 = arith.constant 0 : i32
    %dma_start3A_56 = arith.constant 0 : i32
    %dma_start3A_57 = tpu.memref_slice %arg3[%dma_start3A_55, %dma_start3A_56] : memref<4000000x32xf32, #tpu.memory_space<hbm>> -> memref<4000000x32xf32, #tpu.memory_space<hbm>>
    tpu.enqueue_indirect_dma source(%dma_start3A_57 : memref<4000000x32xf32, #tpu.memory_space<hbm>>) target(%dma_start3A_51 : memref<26x32xf32, #tpu.memory_space<vmem>>) offsets(%dma_start3A_54 : memref<26xi32, #tpu.memory_space<vmem>>) semaphore(%arg7 : memref<!tpu.dma_semaphore, #tpu.memory_space<semaphore_mem>>)
    %dma_start3A_58 = arith.constant 3 : i32
    %dma_start3A_59 = arith.constant 0 : i32
    %dma_start3A_60 = arith.constant 3 : i32
    %dma_start3A_61 = arith.constant 0 : i32
    %dma_start3A_62 = arith.constant 0 : i32
    %dma_start3A_63 = arith.constant 0 : i32
    %dma_start3A_64 = tpu.memref_slice %arg6[%dma_start3A_59, %dma_start3A_61, %dma_start3A_62, %dma_start3A_63] : memref<2x8x26x32xf32, #tpu.memory_space<vmem>> -> memref<1x8x26x32xf32, #tpu.memory_space<vmem>>
    %dma_start3A_65 = tpu.memref_squeeze %dma_start3A_64 : memref<1x8x26x32xf32, #tpu.memory_space<vmem>> -> memref<8x26x32xf32, #tpu.memory_space<vmem>>
    %dma_start3A_66 = arith.constant 0 : i32
    %dma_start3A_67 = arith.constant 0 : i32
    %dma_start3A_68 = tpu.memref_slice %dma_start3A_65[%dma_start3A_60, %dma_start3A_66, %dma_start3A_67] : memref<8x26x32xf32, #tpu.memory_space<vmem>> -> memref<1x26x32xf32, #tpu.memory_space<vmem>>
    %dma_start3A_69 = tpu.memref_squeeze %dma_start3A_68 : memref<1x26x32xf32, #tpu.memory_space<vmem>> -> memref<26x32xf32, #tpu.memory_space<vmem>>
    %dma_start3A_70 = arith.constant 0 : i32
    %dma_start3A_71 = tpu.memref_slice %arg5[%dma_start3A_58, %dma_start3A_70] : memref<512x26xi32, #tpu.memory_space<vmem>> -> memref<1x26xi32, #tpu.memory_space<vmem>>
    %dma_start3A_72 = tpu.memref_squeeze %dma_start3A_71 : memref<1x26xi32, #tpu.memory_space<vmem>> -> memref<26xi32, #tpu.memory_space<vmem>>
    %dma_start3A_73 = arith.constant 0 : i32
    %dma_start3A_74 = arith.constant 0 : i32
    %dma_start3A_75 = tpu.memref_slice %arg3[%dma_start3A_73, %dma_start3A_74] : memref<4000000x32xf32, #tpu.memory_space<hbm>> -> memref<4000000x32xf32, #tpu.memory_space<hbm>>
    tpu.enqueue_indirect_dma source(%dma_start3A_75 : memref<4000000x32xf32, #tpu.memory_space<hbm>>) target(%dma_start3A_69 : memref<26x32xf32, #tpu.memory_space<vmem>>) offsets(%dma_start3A_72 : memref<26xi32, #tpu.memory_space<vmem>>) semaphore(%arg7 : memref<!tpu.dma_semaphore, #tpu.memory_space<semaphore_mem>>)
    %dma_start3A_76 = arith.constant 4 : i32
    %dma_start3A_77 = arith.constant 0 : i32
    %dma_start3A_78 = arith.constant 4 : i32
    %dma_start3A_79 = arith.constant 0 : i32
    %dma_start3A_80 = arith.constant 0 : i32
    %dma_start3A_81 = arith.constant 0 : i32
    %dma_start3A_82 = tpu.memref_slice %arg6[%dma_start3A_77, %dma_start3A_79, %dma_start3A_80, %dma_start3A_81] : memref<2x8x26x32xf32, #tpu.memory_space<vmem>> -> memref<1x8x26x32xf32, #tpu.memory_space<vmem>>
    %dma_start3A_83 = tpu.memref_squeeze %dma_start3A_82 : memref<1x8x26x32xf32, #tpu.memory_space<vmem>> -> memref<8x26x32xf32, #tpu.memory_space<vmem>>
    %dma_start3A_84 = arith.constant 0 : i32
    %dma_start3A_85 = arith.constant 0 : i32
    %dma_start3A_86 = tpu.memref_slice %dma_start3A_83[%dma_start3A_78, %dma_start3A_84, %dma_start3A_85] : memref<8x26x32xf32, #tpu.memory_space<vmem>> -> memref<1x26x32xf32, #tpu.memory_space<vmem>>
    %dma_start3A_87 = tpu.memref_squeeze %dma_start3A_86 : memref<1x26x32xf32, #tpu.memory_space<vmem>> -> memref<26x32xf32, #tpu.memory_space<vmem>>
    %dma_start3A_88 = arith.constant 0 : i32
    %dma_start3A_89 = tpu.memref_slice %arg5[%dma_start3A_76, %dma_start3A_88] : memref<512x26xi32, #tpu.memory_space<vmem>> -> memref<1x26xi32, #tpu.memory_space<vmem>>
    %dma_start3A_90 = tpu.memref_squeeze %dma_start3A_89 : memref<1x26xi32, #tpu.memory_space<vmem>> -> memref<26xi32, #tpu.memory_space<vmem>>
    %dma_start3A_91 = arith.constant 0 : i32
    %dma_start3A_92 = arith.constant 0 : i32
    %dma_start3A_93 = tpu.memref_slice %arg3[%dma_start3A_91, %dma_start3A_92] : memref<4000000x32xf32, #tpu.memory_space<hbm>> -> memref<4000000x32xf32, #tpu.memory_space<hbm>>
    tpu.enqueue_indirect_dma source(%dma_start3A_93 : memref<4000000x32xf32, #tpu.memory_space<hbm>>) target(%dma_start3A_87 : memref<26x32xf32, #tpu.memory_space<vmem>>) offsets(%dma_start3A_90 : memref<26xi32, #tpu.memory_space<vmem>>) semaphore(%arg7 : memref<!tpu.dma_semaphore, #tpu.memory_space<semaphore_mem>>)
    %dma_start3A_94 = arith.constant 5 : i32
    %dma_start3A_95 = arith.constant 0 : i32
    %dma_start3A_96 = arith.constant 5 : i32
    %dma_start3A_97 = arith.constant 0 : i32
    %dma_start3A_98 = arith.constant 0 : i32
    %dma_start3A_99 = arith.constant 0 : i32
    %dma_start3A_100 = tpu.memref_slice %arg6[%dma_start3A_95, %dma_start3A_97, %dma_start3A_98, %dma_start3A_99] : memref<2x8x26x32xf32, #tpu.memory_space<vmem>> -> memref<1x8x26x32xf32, #tpu.memory_space<vmem>>
    %dma_start3A_101 = tpu.memref_squeeze %dma_start3A_100 : memref<1x8x26x32xf32, #tpu.memory_space<vmem>> -> memref<8x26x32xf32, #tpu.memory_space<vmem>>
    %dma_start3A_102 = arith.constant 0 : i32
    %dma_start3A_103 = arith.constant 0 : i32
    %dma_start3A_104 = tpu.memref_slice %dma_start3A_101[%dma_start3A_96, %dma_start3A_102, %dma_start3A_103] : memref<8x26x32xf32, #tpu.memory_space<vmem>> -> memref<1x26x32xf32, #tpu.memory_space<vmem>>
    %dma_start3A_105 = tpu.memref_squeeze %dma_start3A_104 : memref<1x26x32xf32, #tpu.memory_space<vmem>> -> memref<26x32xf32, #tpu.memory_space<vmem>>
    %dma_start3A_106 = arith.constant 0 : i32
    %dma_start3A_107 = tpu.memref_slice %arg5[%dma_start3A_94, %dma_start3A_106] : memref<512x26xi32, #tpu.memory_space<vmem>> -> memref<1x26xi32, #tpu.memory_space<vmem>>
    %dma_start3A_108 = tpu.memref_squeeze %dma_start3A_107 : memref<1x26xi32, #tpu.memory_space<vmem>> -> memref<26xi32, #tpu.memory_space<vmem>>
    %dma_start3A_109 = arith.constant 0 : i32
    %dma_start3A_110 = arith.constant 0 : i32
    %dma_start3A_111 = tpu.memref_slice %arg3[%dma_start3A_109, %dma_start3A_110] : memref<4000000x32xf32, #tpu.memory_space<hbm>> -> memref<4000000x32xf32, #tpu.memory_space<hbm>>
    tpu.enqueue_indirect_dma source(%dma_start3A_111 : memref<4000000x32xf32, #tpu.memory_space<hbm>>) target(%dma_start3A_105 : memref<26x32xf32, #tpu.memory_space<vmem>>) offsets(%dma_start3A_108 : memref<26xi32, #tpu.memory_space<vmem>>) semaphore(%arg7 : memref<!tpu.dma_semaphore, #tpu.memory_space<semaphore_mem>>)
    %dma_start3A_112 = arith.constant 6 : i32
    %dma_start3A_113 = arith.constant 0 : i32
    %dma_start3A_114 = arith.constant 6 : i32
    %dma_start3A_115 = arith.constant 0 : i32
    %dma_start3A_116 = arith.constant 0 : i32
    %dma_start3A_117 = arith.constant 0 : i32
    %dma_start3A_118 = tpu.memref_slice %arg6[%dma_start3A_113, %dma_start3A_115, %dma_start3A_116, %dma_start3A_117] : memref<2x8x26x32xf32, #tpu.memory_space<vmem>> -> memref<1x8x26x32xf32, #tpu.memory_space<vmem>>
    %dma_start3A_119 = tpu.memref_squeeze %dma_start3A_118 : memref<1x8x26x32xf32, #tpu.memory_space<vmem>> -> memref<8x26x32xf32, #tpu.memory_space<vmem>>
    %dma_start3A_120 = arith.constant 0 : i32
    %dma_start3A_121 = arith.constant 0 : i32
    %dma_start3A_122 = tpu.memref_slice %dma_start3A_119[%dma_start3A_114, %dma_start3A_120, %dma_start3A_121] : memref<8x26x32xf32, #tpu.memory_space<vmem>> -> memref<1x26x32xf32, #tpu.memory_space<vmem>>
    %dma_start3A_123 = tpu.memref_squeeze %dma_start3A_122 : memref<1x26x32xf32, #tpu.memory_space<vmem>> -> memref<26x32xf32, #tpu.memory_space<vmem>>
    %dma_start3A_124 = arith.constant 0 : i32
    %dma_start3A_125 = tpu.memref_slice %arg5[%dma_start3A_112, %dma_start3A_124] : memref<512x26xi32, #tpu.memory_space<vmem>> -> memref<1x26xi32, #tpu.memory_space<vmem>>
    %dma_start3A_126 = tpu.memref_squeeze %dma_start3A_125 : memref<1x26xi32, #tpu.memory_space<vmem>> -> memref<26xi32, #tpu.memory_space<vmem>>
    %dma_start3A_127 = arith.constant 0 : i32
    %dma_start3A_128 = arith.constant 0 : i32
    %dma_start3A_129 = tpu.memref_slice %arg3[%dma_start3A_127, %dma_start3A_128] : memref<4000000x32xf32, #tpu.memory_space<hbm>> -> memref<4000000x32xf32, #tpu.memory_space<hbm>>
    tpu.enqueue_indirect_dma source(%dma_start3A_129 : memref<4000000x32xf32, #tpu.memory_space<hbm>>) target(%dma_start3A_123 : memref<26x32xf32, #tpu.memory_space<vmem>>) offsets(%dma_start3A_126 : memref<26xi32, #tpu.memory_space<vmem>>) semaphore(%arg7 : memref<!tpu.dma_semaphore, #tpu.memory_space<semaphore_mem>>)
    %dma_start3A_130 = arith.constant 7 : i32
    %dma_start3A_131 = arith.constant 0 : i32
    %dma_start3A_132 = arith.constant 7 : i32
    %dma_start3A_133 = arith.constant 0 : i32
    %dma_start3A_134 = arith.constant 0 : i32
    %dma_start3A_135 = arith.constant 0 : i32
    %dma_start3A_136 = tpu.memref_slice %arg6[%dma_start3A_131, %dma_start3A_133, %dma_start3A_134, %dma_start3A_135] : memref<2x8x26x32xf32, #tpu.memory_space<vmem>> -> memref<1x8x26x32xf32, #tpu.memory_space<vmem>>
    %dma_start3A_137 = tpu.memref_squeeze %dma_start3A_136 : memref<1x8x26x32xf32, #tpu.memory_space<vmem>> -> memref<8x26x32xf32, #tpu.memory_space<vmem>>
    %dma_start3A_138 = arith.constant 0 : i32
    %dma_start3A_139 = arith.constant 0 : i32
    %dma_start3A_140 = tpu.memref_slice %dma_start3A_137[%dma_start3A_132, %dma_start3A_138, %dma_start3A_139] : memref<8x26x32xf32, #tpu.memory_space<vmem>> -> memref<1x26x32xf32, #tpu.memory_space<vmem>>
    %dma_start3A_141 = tpu.memref_squeeze %dma_start3A_140 : memref<1x26x32xf32, #tpu.memory_space<vmem>> -> memref<26x32xf32, #tpu.memory_space<vmem>>
    %dma_start3A_142 = arith.constant 0 : i32
    %dma_start3A_143 = tpu.memref_slice %arg5[%dma_start3A_130, %dma_start3A_142] : memref<512x26xi32, #tpu.memory_space<vmem>> -> memref<1x26xi32, #tpu.memory_space<vmem>>
    %dma_start3A_144 = tpu.memref_squeeze %dma_start3A_143 : memref<1x26xi32, #tpu.memory_space<vmem>> -> memref<26xi32, #tpu.memory_space<vmem>>
    %dma_start3A_145 = arith.constant 0 : i32
    %dma_start3A_146 = arith.constant 0 : i32
    %dma_start3A_147 = tpu.memref_slice %arg3[%dma_start3A_145, %dma_start3A_146] : memref<4000000x32xf32, #tpu.memory_space<hbm>> -> memref<4000000x32xf32, #tpu.memory_space<hbm>>
    tpu.enqueue_indirect_dma source(%dma_start3A_147 : memref<4000000x32xf32, #tpu.memory_space<hbm>>) target(%dma_start3A_141 : memref<26x32xf32, #tpu.memory_space<vmem>>) offsets(%dma_start3A_144 : memref<26xi32, #tpu.memory_space<vmem>>) semaphore(%arg7 : memref<!tpu.dma_semaphore, #tpu.memory_space<semaphore_mem>>)
    %dma_start3A_148 = arith.constant 8 : i32
    %dma_start3A_149 = arith.constant 1 : i32
    %dma_start3A_150 = arith.constant 0 : i32
    %dma_start3A_151 = arith.constant 0 : i32
    %dma_start3A_152 = arith.constant 0 : i32
    %dma_start3A_153 = arith.constant 0 : i32
    %dma_start3A_154 = tpu.memref_slice %arg6[%dma_start3A_149, %dma_start3A_151, %dma_start3A_152, %dma_start3A_153] : memref<2x8x26x32xf32, #tpu.memory_space<vmem>> -> memref<1x8x26x32xf32, #tpu.memory_space<vmem>>
    %dma_start3A_155 = tpu.memref_squeeze %dma_start3A_154 : memref<1x8x26x32xf32, #tpu.memory_space<vmem>> -> memref<8x26x32xf32, #tpu.memory_space<vmem>>
    %dma_start3A_156 = arith.constant 0 : i32
    %dma_start3A_157 = arith.constant 0 : i32
    %dma_start3A_158 = tpu.memref_slice %dma_start3A_155[%dma_start3A_150, %dma_start3A_156, %dma_start3A_157] : memref<8x26x32xf32, #tpu.memory_space<vmem>> -> memref<1x26x32xf32, #tpu.memory_space<vmem>>
    %dma_start3A_159 = tpu.memref_squeeze %dma_start3A_158 : memref<1x26x32xf32, #tpu.memory_space<vmem>> -> memref<26x32xf32, #tpu.memory_space<vmem>>
    %dma_start3A_160 = arith.constant 0 : i32
    %dma_start3A_161 = tpu.memref_slice %arg5[%dma_start3A_148, %dma_start3A_160] : memref<512x26xi32, #tpu.memory_space<vmem>> -> memref<1x26xi32, #tpu.memory_space<vmem>>
    %dma_start3A_162 = tpu.memref_squeeze %dma_start3A_161 : memref<1x26xi32, #tpu.memory_space<vmem>> -> memref<26xi32, #tpu.memory_space<vmem>>
    %dma_start3A_163 = arith.constant 0 : i32
    %dma_start3A_164 = arith.constant 0 : i32
    %dma_start3A_165 = tpu.memref_slice %arg3[%dma_start3A_163, %dma_start3A_164] : memref<4000000x32xf32, #tpu.memory_space<hbm>> -> memref<4000000x32xf32, #tpu.memory_space<hbm>>
    tpu.enqueue_indirect_dma source(%dma_start3A_165 : memref<4000000x32xf32, #tpu.memory_space<hbm>>) target(%dma_start3A_159 : memref<26x32xf32, #tpu.memory_space<vmem>>) offsets(%dma_start3A_162 : memref<26xi32, #tpu.memory_space<vmem>>) semaphore(%arg8 : memref<!tpu.dma_semaphore, #tpu.memory_space<semaphore_mem>>)
    %dma_start3A_166 = arith.constant 9 : i32
    %dma_start3A_167 = arith.constant 1 : i32
    %dma_start3A_168 = arith.constant 1 : i32
    %dma_start3A_169 = arith.constant 0 : i32
    %dma_start3A_170 = arith.constant 0 : i32
    %dma_start3A_171 = arith.constant 0 : i32
    %dma_start3A_172 = tpu.memref_slice %arg6[%dma_start3A_167, %dma_start3A_169, %dma_start3A_170, %dma_start3A_171] : memref<2x8x26x32xf32, #tpu.memory_space<vmem>> -> memref<1x8x26x32xf32, #tpu.memory_space<vmem>>
    %dma_start3A_173 = tpu.memref_squeeze %dma_start3A_172 : memref<1x8x26x32xf32, #tpu.memory_space<vmem>> -> memref<8x26x32xf32, #tpu.memory_space<vmem>>
    %dma_start3A_174 = arith.constant 0 : i32
    %dma_start3A_175 = arith.constant 0 : i32
    %dma_start3A_176 = tpu.memref_slice %dma_start3A_173[%dma_start3A_168, %dma_start3A_174, %dma_start3A_175] : memref<8x26x32xf32, #tpu.memory_space<vmem>> -> memref<1x26x32xf32, #tpu.memory_space<vmem>>
    %dma_start3A_177 = tpu.memref_squeeze %dma_start3A_176 : memref<1x26x32xf32, #tpu.memory_space<vmem>> -> memref<26x32xf32, #tpu.memory_space<vmem>>
    %dma_start3A_178 = arith.constant 0 : i32
    %dma_start3A_179 = tpu.memref_slice %arg5[%dma_start3A_166, %dma_start3A_178] : memref<512x26xi32, #tpu.memory_space<vmem>> -> memref<1x26xi32, #tpu.memory_space<vmem>>
    %dma_start3A_180 = tpu.memref_squeeze %dma_start3A_179 : memref<1x26xi32, #tpu.memory_space<vmem>> -> memref<26xi32, #tpu.memory_space<vmem>>
    %dma_start3A_181 = arith.constant 0 : i32
    %dma_start3A_182 = arith.constant 0 : i32
    %dma_start3A_183 = tpu.memref_slice %arg3[%dma_start3A_181, %dma_start3A_182] : memref<4000000x32xf32, #tpu.memory_space<hbm>> -> memref<4000000x32xf32, #tpu.memory_space<hbm>>
    tpu.enqueue_indirect_dma source(%dma_start3A_183 : memref<4000000x32xf32, #tpu.memory_space<hbm>>) target(%dma_start3A_177 : memref<26x32xf32, #tpu.memory_space<vmem>>) offsets(%dma_start3A_180 : memref<26xi32, #tpu.memory_space<vmem>>) semaphore(%arg8 : memref<!tpu.dma_semaphore, #tpu.memory_space<semaphore_mem>>)
    %dma_start3A_184 = arith.constant 10 : i32
    %dma_start3A_185 = arith.constant 1 : i32
    %dma_start3A_186 = arith.constant 2 : i32
    %dma_start3A_187 = arith.constant 0 : i32
    %dma_start3A_188 = arith.constant 0 : i32
    %dma_start3A_189 = arith.constant 0 : i32
    %dma_start3A_190 = tpu.memref_slice %arg6[%dma_start3A_185, %dma_start3A_187, %dma_start3A_188, %dma_start3A_189] : memref<2x8x26x32xf32, #tpu.memory_space<vmem>> -> memref<1x8x26x32xf32, #tpu.memory_space<vmem>>
    %dma_start3A_191 = tpu.memref_squeeze %dma_start3A_190 : memref<1x8x26x32xf32, #tpu.memory_space<vmem>> -> memref<8x26x32xf32, #tpu.memory_space<vmem>>
    %dma_start3A_192 = arith.constant 0 : i32
    %dma_start3A_193 = arith.constant 0 : i32
    %dma_start3A_194 = tpu.memref_slice %dma_start3A_191[%dma_start3A_186, %dma_start3A_192, %dma_start3A_193] : memref<8x26x32xf32, #tpu.memory_space<vmem>> -> memref<1x26x32xf32, #tpu.memory_space<vmem>>
    %dma_start3A_195 = tpu.memref_squeeze %dma_start3A_194 : memref<1x26x32xf32, #tpu.memory_space<vmem>> -> memref<26x32xf32, #tpu.memory_space<vmem>>
    %dma_start3A_196 = arith.constant 0 : i32
    %dma_start3A_197 = tpu.memref_slice %arg5[%dma_start3A_184, %dma_start3A_196] : memref<512x26xi32, #tpu.memory_space<vmem>> -> memref<1x26xi32, #tpu.memory_space<vmem>>
    %dma_start3A_198 = tpu.memref_squeeze %dma_start3A_197 : memref<1x26xi32, #tpu.memory_space<vmem>> -> memref<26xi32, #tpu.memory_space<vmem>>
    %dma_start3A_199 = arith.constant 0 : i32
    %dma_start3A_200 = arith.constant 0 : i32
    %dma_start3A_201 = tpu.memref_slice %arg3[%dma_start3A_199, %dma_start3A_200] : memref<4000000x32xf32, #tpu.memory_space<hbm>> -> memref<4000000x32xf32, #tpu.memory_space<hbm>>
    tpu.enqueue_indirect_dma source(%dma_start3A_201 : memref<4000000x32xf32, #tpu.memory_space<hbm>>) target(%dma_start3A_195 : memref<26x32xf32, #tpu.memory_space<vmem>>) offsets(%dma_start3A_198 : memref<26xi32, #tpu.memory_space<vmem>>) semaphore(%arg8 : memref<!tpu.dma_semaphore, #tpu.memory_space<semaphore_mem>>)
    %dma_start3A_202 = arith.constant 11 : i32
    %dma_start3A_203 = arith.constant 1 : i32
    %dma_start3A_204 = arith.constant 3 : i32
    %dma_start3A_205 = arith.constant 0 : i32
    %dma_start3A_206 = arith.constant 0 : i32
    %dma_start3A_207 = arith.constant 0 : i32
    %dma_start3A_208 = tpu.memref_slice %arg6[%dma_start3A_203, %dma_start3A_205, %dma_start3A_206, %dma_start3A_207] : memref<2x8x26x32xf32, #tpu.memory_space<vmem>> -> memref<1x8x26x32xf32, #tpu.memory_space<vmem>>
    %dma_start3A_209 = tpu.memref_squeeze %dma_start3A_208 : memref<1x8x26x32xf32, #tpu.memory_space<vmem>> -> memref<8x26x32xf32, #tpu.memory_space<vmem>>
    %dma_start3A_210 = arith.constant 0 : i32
    %dma_start3A_211 = arith.constant 0 : i32
    %dma_start3A_212 = tpu.memref_slice %dma_start3A_209[%dma_start3A_204, %dma_start3A_210, %dma_start3A_211] : memref<8x26x32xf32, #tpu.memory_space<vmem>> -> memref<1x26x32xf32, #tpu.memory_space<vmem>>
    %dma_start3A_213 = tpu.memref_squeeze %dma_start3A_212 : memref<1x26x32xf32, #tpu.memory_space<vmem>> -> memref<26x32xf32, #tpu.memory_space<vmem>>
    %dma_start3A_214 = arith.constant 0 : i32
    %dma_start3A_215 = tpu.memref_slice %arg5[%dma_start3A_202, %dma_start3A_214] : memref<512x26xi32, #tpu.memory_space<vmem>> -> memref<1x26xi32, #tpu.memory_space<vmem>>
    %dma_start3A_216 = tpu.memref_squeeze %dma_start3A_215 : memref<1x26xi32, #tpu.memory_space<vmem>> -> memref<26xi32, #tpu.memory_space<vmem>>
    %dma_start3A_217 = arith.constant 0 : i32
    %dma_start3A_218 = arith.constant 0 : i32
    %dma_start3A_219 = tpu.memref_slice %arg3[%dma_start3A_217, %dma_start3A_218] : memref<4000000x32xf32, #tpu.memory_space<hbm>> -> memref<4000000x32xf32, #tpu.memory_space<hbm>>
    tpu.enqueue_indirect_dma source(%dma_start3A_219 : memref<4000000x32xf32, #tpu.memory_space<hbm>>) target(%dma_start3A_213 : memref<26x32xf32, #tpu.memory_space<vmem>>) offsets(%dma_start3A_216 : memref<26xi32, #tpu.memory_space<vmem>>) semaphore(%arg8 : memref<!tpu.dma_semaphore, #tpu.memory_space<semaphore_mem>>)
    %dma_start3A_220 = arith.constant 12 : i32
    %dma_start3A_221 = arith.constant 1 : i32
    %dma_start3A_222 = arith.constant 4 : i32
    %dma_start3A_223 = arith.constant 0 : i32
    %dma_start3A_224 = arith.constant 0 : i32
    %dma_start3A_225 = arith.constant 0 : i32
    %dma_start3A_226 = tpu.memref_slice %arg6[%dma_start3A_221, %dma_start3A_223, %dma_start3A_224, %dma_start3A_225] : memref<2x8x26x32xf32, #tpu.memory_space<vmem>> -> memref<1x8x26x32xf32, #tpu.memory_space<vmem>>
    %dma_start3A_227 = tpu.memref_squeeze %dma_start3A_226 : memref<1x8x26x32xf32, #tpu.memory_space<vmem>> -> memref<8x26x32xf32, #tpu.memory_space<vmem>>
    %dma_start3A_228 = arith.constant 0 : i32
    %dma_start3A_229 = arith.constant 0 : i32
    %dma_start3A_230 = tpu.memref_slice %dma_start3A_227[%dma_start3A_222, %dma_start3A_228, %dma_start3A_229] : memref<8x26x32xf32, #tpu.memory_space<vmem>> -> memref<1x26x32xf32, #tpu.memory_space<vmem>>
    %dma_start3A_231 = tpu.memref_squeeze %dma_start3A_230 : memref<1x26x32xf32, #tpu.memory_space<vmem>> -> memref<26x32xf32, #tpu.memory_space<vmem>>
    %dma_start3A_232 = arith.constant 0 : i32
    %dma_start3A_233 = tpu.memref_slice %arg5[%dma_start3A_220, %dma_start3A_232] : memref<512x26xi32, #tpu.memory_space<vmem>> -> memref<1x26xi32, #tpu.memory_space<vmem>>
    %dma_start3A_234 = tpu.memref_squeeze %dma_start3A_233 : memref<1x26xi32, #tpu.memory_space<vmem>> -> memref<26xi32, #tpu.memory_space<vmem>>
    %dma_start3A_235 = arith.constant 0 : i32
    %dma_start3A_236 = arith.constant 0 : i32
    %dma_start3A_237 = tpu.memref_slice %arg3[%dma_start3A_235, %dma_start3A_236] : memref<4000000x32xf32, #tpu.memory_space<hbm>> -> memref<4000000x32xf32, #tpu.memory_space<hbm>>
    tpu.enqueue_indirect_dma source(%dma_start3A_237 : memref<4000000x32xf32, #tpu.memory_space<hbm>>) target(%dma_start3A_231 : memref<26x32xf32, #tpu.memory_space<vmem>>) offsets(%dma_start3A_234 : memref<26xi32, #tpu.memory_space<vmem>>) semaphore(%arg8 : memref<!tpu.dma_semaphore, #tpu.memory_space<semaphore_mem>>)
    %dma_start3A_238 = arith.constant 13 : i32
    %dma_start3A_239 = arith.constant 1 : i32
    %dma_start3A_240 = arith.constant 5 : i32
    %dma_start3A_241 = arith.constant 0 : i32
    %dma_start3A_242 = arith.constant 0 : i32
    %dma_start3A_243 = arith.constant 0 : i32
    %dma_start3A_244 = tpu.memref_slice %arg6[%dma_start3A_239, %dma_start3A_241, %dma_start3A_242, %dma_start3A_243] : memref<2x8x26x32xf32, #tpu.memory_space<vmem>> -> memref<1x8x26x32xf32, #tpu.memory_space<vmem>>
    %dma_start3A_245 = tpu.memref_squeeze %dma_start3A_244 : memref<1x8x26x32xf32, #tpu.memory_space<vmem>> -> memref<8x26x32xf32, #tpu.memory_space<vmem>>
    %dma_start3A_246 = arith.constant 0 : i32
    %dma_start3A_247 = arith.constant 0 : i32
    %dma_start3A_248 = tpu.memref_slice %dma_start3A_245[%dma_start3A_240, %dma_start3A_246, %dma_start3A_247] : memref<8x26x32xf32, #tpu.memory_space<vmem>> -> memref<1x26x32xf32, #tpu.memory_space<vmem>>
    %dma_start3A_249 = tpu.memref_squeeze %dma_start3A_248 : memref<1x26x32xf32, #tpu.memory_space<vmem>> -> memref<26x32xf32, #tpu.memory_space<vmem>>
    %dma_start3A_250 = arith.constant 0 : i32
    %dma_start3A_251 = tpu.memref_slice %arg5[%dma_start3A_238, %dma_start3A_250] : memref<512x26xi32, #tpu.memory_space<vmem>> -> memref<1x26xi32, #tpu.memory_space<vmem>>
    %dma_start3A_252 = tpu.memref_squeeze %dma_start3A_251 : memref<1x26xi32, #tpu.memory_space<vmem>> -> memref<26xi32, #tpu.memory_space<vmem>>
    %dma_start3A_253 = arith.constant 0 : i32
    %dma_start3A_254 = arith.constant 0 : i32
    %dma_start3A_255 = tpu.memref_slice %arg3[%dma_start3A_253, %dma_start3A_254] : memref<4000000x32xf32, #tpu.memory_space<hbm>> -> memref<4000000x32xf32, #tpu.memory_space<hbm>>
    tpu.enqueue_indirect_dma source(%dma_start3A_255 : memref<4000000x32xf32, #tpu.memory_space<hbm>>) target(%dma_start3A_249 : memref<26x32xf32, #tpu.memory_space<vmem>>) offsets(%dma_start3A_252 : memref<26xi32, #tpu.memory_space<vmem>>) semaphore(%arg8 : memref<!tpu.dma_semaphore, #tpu.memory_space<semaphore_mem>>)
    %dma_start3A_256 = arith.constant 14 : i32
    %dma_start3A_257 = arith.constant 1 : i32
    %dma_start3A_258 = arith.constant 6 : i32
    %dma_start3A_259 = arith.constant 0 : i32
    %dma_start3A_260 = arith.constant 0 : i32
    %dma_start3A_261 = arith.constant 0 : i32
    %dma_start3A_262 = tpu.memref_slice %arg6[%dma_start3A_257, %dma_start3A_259, %dma_start3A_260, %dma_start3A_261] : memref<2x8x26x32xf32, #tpu.memory_space<vmem>> -> memref<1x8x26x32xf32, #tpu.memory_space<vmem>>
    %dma_start3A_263 = tpu.memref_squeeze %dma_start3A_262 : memref<1x8x26x32xf32, #tpu.memory_space<vmem>> -> memref<8x26x32xf32, #tpu.memory_space<vmem>>
    %dma_start3A_264 = arith.constant 0 : i32
    %dma_start3A_265 = arith.constant 0 : i32
    %dma_start3A_266 = tpu.memref_slice %dma_start3A_263[%dma_start3A_258, %dma_start3A_264, %dma_start3A_265] : memref<8x26x32xf32, #tpu.memory_space<vmem>> -> memref<1x26x32xf32, #tpu.memory_space<vmem>>
    %dma_start3A_267 = tpu.memref_squeeze %dma_start3A_266 : memref<1x26x32xf32, #tpu.memory_space<vmem>> -> memref<26x32xf32, #tpu.memory_space<vmem>>
    %dma_start3A_268 = arith.constant 0 : i32
    %dma_start3A_269 = tpu.memref_slice %arg5[%dma_start3A_256, %dma_start3A_268] : memref<512x26xi32, #tpu.memory_space<vmem>> -> memref<1x26xi32, #tpu.memory_space<vmem>>
    %dma_start3A_270 = tpu.memref_squeeze %dma_start3A_269 : memref<1x26xi32, #tpu.memory_space<vmem>> -> memref<26xi32, #tpu.memory_space<vmem>>
    %dma_start3A_271 = arith.constant 0 : i32
    %dma_start3A_272 = arith.constant 0 : i32
    %dma_start3A_273 = tpu.memref_slice %arg3[%dma_start3A_271, %dma_start3A_272] : memref<4000000x32xf32, #tpu.memory_space<hbm>> -> memref<4000000x32xf32, #tpu.memory_space<hbm>>
    tpu.enqueue_indirect_dma source(%dma_start3A_273 : memref<4000000x32xf32, #tpu.memory_space<hbm>>) target(%dma_start3A_267 : memref<26x32xf32, #tpu.memory_space<vmem>>) offsets(%dma_start3A_270 : memref<26xi32, #tpu.memory_space<vmem>>) semaphore(%arg8 : memref<!tpu.dma_semaphore, #tpu.memory_space<semaphore_mem>>)
    %dma_start3A_274 = arith.constant 15 : i32
    %dma_start3A_275 = arith.constant 1 : i32
    %dma_start3A_276 = arith.constant 7 : i32
    %dma_start3A_277 = arith.constant 0 : i32
    %dma_start3A_278 = arith.constant 0 : i32
    %dma_start3A_279 = arith.constant 0 : i32
    %dma_start3A_280 = tpu.memref_slice %arg6[%dma_start3A_275, %dma_start3A_277, %dma_start3A_278, %dma_start3A_279] : memref<2x8x26x32xf32, #tpu.memory_space<vmem>> -> memref<1x8x26x32xf32, #tpu.memory_space<vmem>>
    %dma_start3A_281 = tpu.memref_squeeze %dma_start3A_280 : memref<1x8x26x32xf32, #tpu.memory_space<vmem>> -> memref<8x26x32xf32, #tpu.memory_space<vmem>>
    %dma_start3A_282 = arith.constant 0 : i32
    %dma_start3A_283 = arith.constant 0 : i32
    %dma_start3A_284 = tpu.memref_slice %dma_start3A_281[%dma_start3A_276, %dma_start3A_282, %dma_start3A_283] : memref<8x26x32xf32, #tpu.memory_space<vmem>> -> memref<1x26x32xf32, #tpu.memory_space<vmem>>
    %dma_start3A_285 = tpu.memref_squeeze %dma_start3A_284 : memref<1x26x32xf32, #tpu.memory_space<vmem>> -> memref<26x32xf32, #tpu.memory_space<vmem>>
    %dma_start3A_286 = arith.constant 0 : i32
    %dma_start3A_287 = tpu.memref_slice %arg5[%dma_start3A_274, %dma_start3A_286] : memref<512x26xi32, #tpu.memory_space<vmem>> -> memref<1x26xi32, #tpu.memory_space<vmem>>
    %dma_start3A_288 = tpu.memref_squeeze %dma_start3A_287 : memref<1x26xi32, #tpu.memory_space<vmem>> -> memref<26xi32, #tpu.memory_space<vmem>>
    %dma_start3A_289 = arith.constant 0 : i32
    %dma_start3A_290 = arith.constant 0 : i32
    %dma_start3A_291 = tpu.memref_slice %arg3[%dma_start3A_289, %dma_start3A_290] : memref<4000000x32xf32, #tpu.memory_space<hbm>> -> memref<4000000x32xf32, #tpu.memory_space<hbm>>
    tpu.enqueue_indirect_dma source(%dma_start3A_291 : memref<4000000x32xf32, #tpu.memory_space<hbm>>) target(%dma_start3A_285 : memref<26x32xf32, #tpu.memory_space<vmem>>) offsets(%dma_start3A_288 : memref<26xi32, #tpu.memory_space<vmem>>) semaphore(%arg8 : memref<!tpu.dma_semaphore, #tpu.memory_space<semaphore_mem>>)
    %dma_wait3A = arith.constant 0 : i32
    %dma_wait3A_292 = arith.constant 0 : i32
    %dma_wait3A_293 = arith.constant 0 : i32
    %dma_wait3A_294 = arith.constant 0 : i32
    %dma_wait3A_295 = tpu.memref_slice %arg6[%dma_wait3A, %dma_wait3A_292, %dma_wait3A_293, %dma_wait3A_294] : memref<2x8x26x32xf32, #tpu.memory_space<vmem>> -> memref<1x8x26x32xf32, #tpu.memory_space<vmem>>
    %dma_wait3A_296 = tpu.memref_squeeze %dma_wait3A_295 : memref<1x8x26x32xf32, #tpu.memory_space<vmem>> -> memref<8x26x32xf32, #tpu.memory_space<vmem>>
    %dma_wait3A_297 = arith.constant 0 : i32
    %dma_wait3A_298 = arith.constant 0 : i32
    %dma_wait3A_299 = arith.constant 0 : i32
    %dma_wait3A_300 = tpu.memref_slice %arg4[%dma_wait3A_297, %dma_wait3A_298, %dma_wait3A_299] : memref<16384x32x128xf32, #tpu.memory_space<hbm>> -> memref<8x26x32xf32, #tpu.memory_space<hbm>>
    %dma_wait3A_301 = arith.constant 0 : i32
    %dma_wait3A_302 = arith.constant 0 : i32
    %dma_wait3A_303 = arith.constant 0 : i32
    %dma_wait3A_304 = tpu.memref_slice %arg6[%dma_wait3A, %dma_wait3A_301, %dma_wait3A_302, %dma_wait3A_303] : memref<2x8x26x32xf32, #tpu.memory_space<vmem>> -> memref<1x8x26x32xf32, #tpu.memory_space<vmem>>
    %dma_wait3A_305 = tpu.memref_squeeze %dma_wait3A_304 : memref<1x8x26x32xf32, #tpu.memory_space<vmem>> -> memref<8x26x32xf32, #tpu.memory_space<vmem>>
    %dma_wait3A_306 = arith.constant 0 : i32
    %dma_wait3A_307 = arith.constant 0 : i32
    %dma_wait3A_308 = arith.constant 0 : i32
    %dma_wait3A_309 = tpu.memref_slice %arg4[%dma_wait3A_306, %dma_wait3A_307, %dma_wait3A_308] : memref<16384x32x128xf32, #tpu.memory_space<hbm>> -> memref<8x26x32xf32, #tpu.memory_space<hbm>>
    tpu.wait_dma2 semaphore(%arg7 : memref<!tpu.dma_semaphore, #tpu.memory_space<semaphore_mem>>) src(%dma_wait3A_309 : memref<8x26x32xf32, #tpu.memory_space<hbm>>) dst(%dma_wait3A_305 : memref<8x26x32xf32, #tpu.memory_space<vmem>>)
    %add3A_310 = arith.constant 0 : i32
    %add3A_311 = arith.addi %mul3A_4, %add3A_310 : i32
    %dma_start3A_312 = arith.constant 0 : i32
    %dma_start3A_313 = arith.constant 0 : i32
    %dma_start3A_314 = arith.constant 0 : i32
    %dma_start3A_315 = arith.constant 0 : i32
    %dma_start3A_316 = tpu.memref_slice %arg6[%dma_start3A_312, %dma_start3A_313, %dma_start3A_314, %dma_start3A_315] : memref<2x8x26x32xf32, #tpu.memory_space<vmem>> -> memref<1x8x26x32xf32, #tpu.memory_space<vmem>>
    %dma_start3A_317 = tpu.memref_squeeze %dma_start3A_316 : memref<1x8x26x32xf32, #tpu.memory_space<vmem>> -> memref<8x26x32xf32, #tpu.memory_space<vmem>>
    %dma_start3A_318 = arith.constant 0 : i32
    %dma_start3A_319 = arith.constant 0 : i32
    %dma_start3A_320 = tpu.memref_slice %arg4[%add3A_311, %dma_start3A_318, %dma_start3A_319] : memref<16384x32x128xf32, #tpu.memory_space<hbm>> -> memref<8x26x32xf32, #tpu.memory_space<hbm>>
    %dma_start3A_321 = arith.constant 0 : i32
    %dma_start3A_322 = arith.constant 0 : i32
    %dma_start3A_323 = tpu.memref_slice %arg4[%add3A_311, %dma_start3A_321, %dma_start3A_322] : memref<16384x32x128xf32, #tpu.memory_space<hbm>> -> memref<8x26x32xf32, #tpu.memory_space<hbm>>
    %dma_start3A_324 = arith.constant 0 : i32
    %dma_start3A_325 = arith.constant 0 : i32
    %dma_start3A_326 = arith.constant 0 : i32
    %dma_start3A_327 = tpu.memref_slice %arg6[%dma_start3A_312, %dma_start3A_324, %dma_start3A_325, %dma_start3A_326] : memref<2x8x26x32xf32, #tpu.memory_space<vmem>> -> memref<1x8x26x32xf32, #tpu.memory_space<vmem>>
    %dma_start3A_328 = tpu.memref_squeeze %dma_start3A_327 : memref<1x8x26x32xf32, #tpu.memory_space<vmem>> -> memref<8x26x32xf32, #tpu.memory_space<vmem>>
    tpu.enqueue_dma source(%dma_start3A_328 : memref<8x26x32xf32, #tpu.memory_space<vmem>>) target(%dma_start3A_323 : memref<8x26x32xf32, #tpu.memory_space<hbm>>) target_semaphore(%arg9 : memref<!tpu.dma_semaphore, #tpu.memory_space<semaphore_mem>>)
    %scan3A = arith.constant 0 : i32
    %scan3A_329 = arith.constant 31 : i32
    %scan3A_330 = arith.addi %scan3A, %scan3A_329 : i32
    %scan3A_331 = arith.constant 1 : i32
    scf.for %scan3A_409 = %scan3A to %scan3A_330 step %scan3A_331  : i32 {
      %mul3A_410 = arith.constant 2 : i32
      %mul3A_411 = arith.muli %scan3A_409, %mul3A_410 : i32
      %add3A_412 = arith.constant 1 : i32
      %add3A_413 = arith.addi %add3A_412, %mul3A_411 : i32
      %dma_wait3A_414 = arith.constant 0 : i32
      %dma_wait3A_415 = arith.constant 0 : i32
      %dma_wait3A_416 = arith.constant 0 : i32
      %dma_wait3A_417 = arith.constant 0 : i32
      %dma_wait3A_418 = tpu.memref_slice %arg6[%dma_wait3A_414, %dma_wait3A_415, %dma_wait3A_416, %dma_wait3A_417] : memref<2x8x26x32xf32, #tpu.memory_space<vmem>> -> memref<1x8x26x32xf32, #tpu.memory_space<vmem>>
      %dma_wait3A_419 = tpu.memref_squeeze %dma_wait3A_418 : memref<1x8x26x32xf32, #tpu.memory_space<vmem>> -> memref<8x26x32xf32, #tpu.memory_space<vmem>>
      %dma_wait3A_420 = arith.constant 0 : i32
      %dma_wait3A_421 = arith.constant 0 : i32
      %dma_wait3A_422 = arith.constant 0 : i32
      %dma_wait3A_423 = tpu.memref_slice %arg4[%dma_wait3A_420, %dma_wait3A_421, %dma_wait3A_422] : memref<16384x32x128xf32, #tpu.memory_space<hbm>> -> memref<8x26x32xf32, #tpu.memory_space<hbm>>
      %dma_wait3A_424 = arith.constant 0 : i32
      %dma_wait3A_425 = arith.constant 0 : i32
      %dma_wait3A_426 = arith.constant 0 : i32
      %dma_wait3A_427 = tpu.memref_slice %arg4[%dma_wait3A_424, %dma_wait3A_425, %dma_wait3A_426] : memref<16384x32x128xf32, #tpu.memory_space<hbm>> -> memref<8x26x32xf32, #tpu.memory_space<hbm>>
      %dma_wait3A_428 = arith.constant 0 : i32
      %dma_wait3A_429 = arith.constant 0 : i32
      %dma_wait3A_430 = arith.constant 0 : i32
      %dma_wait3A_431 = tpu.memref_slice %arg6[%dma_wait3A_414, %dma_wait3A_428, %dma_wait3A_429, %dma_wait3A_430] : memref<2x8x26x32xf32, #tpu.memory_space<vmem>> -> memref<1x8x26x32xf32, #tpu.memory_space<vmem>>
      %dma_wait3A_432 = tpu.memref_squeeze %dma_wait3A_431 : memref<1x8x26x32xf32, #tpu.memory_space<vmem>> -> memref<8x26x32xf32, #tpu.memory_space<vmem>>
      tpu.wait_dma2 semaphore(%arg9 : memref<!tpu.dma_semaphore, #tpu.memory_space<semaphore_mem>>) src(%dma_wait3A_432 : memref<8x26x32xf32, #tpu.memory_space<vmem>>) dst(%dma_wait3A_427 : memref<8x26x32xf32, #tpu.memory_space<hbm>>)
      %add3A_433 = arith.constant 1 : i32
      %add3A_434 = arith.addi %add3A_413, %add3A_433 : i32
      %mul3A_435 = arith.constant 8 : i32
      %mul3A_436 = arith.muli %add3A_434, %mul3A_435 : i32
      %add3A_437 = arith.constant 0 : i32
      %add3A_438 = arith.addi %mul3A_436, %add3A_437 : i32
      %dma_start3A_439 = arith.constant 0 : i32
      %dma_start3A_440 = arith.constant 0 : i32
      %dma_start3A_441 = arith.constant 0 : i32
      %dma_start3A_442 = arith.constant 0 : i32
      %dma_start3A_443 = arith.constant 0 : i32
      %dma_start3A_444 = tpu.memref_slice %arg6[%dma_start3A_439, %dma_start3A_441, %dma_start3A_442, %dma_start3A_443] : memref<2x8x26x32xf32, #tpu.memory_space<vmem>> -> memref<1x8x26x32xf32, #tpu.memory_space<vmem>>
      %dma_start3A_445 = tpu.memref_squeeze %dma_start3A_444 : memref<1x8x26x32xf32, #tpu.memory_space<vmem>> -> memref<8x26x32xf32, #tpu.memory_space<vmem>>
      %dma_start3A_446 = arith.constant 0 : i32
      %dma_start3A_447 = arith.constant 0 : i32
      %dma_start3A_448 = tpu.memref_slice %dma_start3A_445[%dma_start3A_440, %dma_start3A_446, %dma_start3A_447] : memref<8x26x32xf32, #tpu.memory_space<vmem>> -> memref<1x26x32xf32, #tpu.memory_space<vmem>>
      %dma_start3A_449 = tpu.memref_squeeze %dma_start3A_448 : memref<1x26x32xf32, #tpu.memory_space<vmem>> -> memref<26x32xf32, #tpu.memory_space<vmem>>
      %dma_start3A_450 = arith.constant 0 : i32
      %dma_start3A_451 = tpu.memref_slice %arg5[%add3A_438, %dma_start3A_450] : memref<512x26xi32, #tpu.memory_space<vmem>> -> memref<1x26xi32, #tpu.memory_space<vmem>>
      %dma_start3A_452 = tpu.memref_squeeze %dma_start3A_451 : memref<1x26xi32, #tpu.memory_space<vmem>> -> memref<26xi32, #tpu.memory_space<vmem>>
      %dma_start3A_453 = arith.constant 0 : i32
      %dma_start3A_454 = arith.constant 0 : i32
      %dma_start3A_455 = tpu.memref_slice %arg3[%dma_start3A_453, %dma_start3A_454] : memref<4000000x32xf32, #tpu.memory_space<hbm>> -> memref<4000000x32xf32, #tpu.memory_space<hbm>>
      tpu.enqueue_indirect_dma source(%dma_start3A_455 : memref<4000000x32xf32, #tpu.memory_space<hbm>>) target(%dma_start3A_449 : memref<26x32xf32, #tpu.memory_space<vmem>>) offsets(%dma_start3A_452 : memref<26xi32, #tpu.memory_space<vmem>>) semaphore(%arg7 : memref<!tpu.dma_semaphore, #tpu.memory_space<semaphore_mem>>)
      %mul3A_456 = arith.constant 8 : i32
      %mul3A_457 = arith.muli %add3A_434, %mul3A_456 : i32
      %add3A_458 = arith.constant 1 : i32
      %add3A_459 = arith.addi %mul3A_457, %add3A_458 : i32
      %dma_start3A_460 = arith.constant 0 : i32
      %dma_start3A_461 = arith.constant 1 : i32
      %dma_start3A_462 = arith.constant 0 : i32
      %dma_start3A_463 = arith.constant 0 : i32
      %dma_start3A_464 = arith.constant 0 : i32
      %dma_start3A_465 = tpu.memref_slice %arg6[%dma_start3A_460, %dma_start3A_462, %dma_start3A_463, %dma_start3A_464] : memref<2x8x26x32xf32, #tpu.memory_space<vmem>> -> memref<1x8x26x32xf32, #tpu.memory_space<vmem>>
      %dma_start3A_466 = tpu.memref_squeeze %dma_start3A_465 : memref<1x8x26x32xf32, #tpu.memory_space<vmem>> -> memref<8x26x32xf32, #tpu.memory_space<vmem>>
      %dma_start3A_467 = arith.constant 0 : i32
      %dma_start3A_468 = arith.constant 0 : i32
      %dma_start3A_469 = tpu.memref_slice %dma_start3A_466[%dma_start3A_461, %dma_start3A_467, %dma_start3A_468] : memref<8x26x32xf32, #tpu.memory_space<vmem>> -> memref<1x26x32xf32, #tpu.memory_space<vmem>>
      %dma_start3A_470 = tpu.memref_squeeze %dma_start3A_469 : memref<1x26x32xf32, #tpu.memory_space<vmem>> -> memref<26x32xf32, #tpu.memory_space<vmem>>
      %dma_start3A_471 = arith.constant 0 : i32
      %dma_start3A_472 = tpu.memref_slice %arg5[%add3A_459, %dma_start3A_471] : memref<512x26xi32, #tpu.memory_space<vmem>> -> memref<1x26xi32, #tpu.memory_space<vmem>>
      %dma_start3A_473 = tpu.memref_squeeze %dma_start3A_472 : memref<1x26xi32, #tpu.memory_space<vmem>> -> memref<26xi32, #tpu.memory_space<vmem>>
      %dma_start3A_474 = arith.constant 0 : i32
      %dma_start3A_475 = arith.constant 0 : i32
      %dma_start3A_476 = tpu.memref_slice %arg3[%dma_start3A_474, %dma_start3A_475] : memref<4000000x32xf32, #tpu.memory_space<hbm>> -> memref<4000000x32xf32, #tpu.memory_space<hbm>>
      tpu.enqueue_indirect_dma source(%dma_start3A_476 : memref<4000000x32xf32, #tpu.memory_space<hbm>>) target(%dma_start3A_470 : memref<26x32xf32, #tpu.memory_space<vmem>>) offsets(%dma_start3A_473 : memref<26xi32, #tpu.memory_space<vmem>>) semaphore(%arg7 : memref<!tpu.dma_semaphore, #tpu.memory_space<semaphore_mem>>)
      %mul3A_477 = arith.constant 8 : i32
      %mul3A_478 = arith.muli %add3A_434, %mul3A_477 : i32
      %add3A_479 = arith.constant 2 : i32
      %add3A_480 = arith.addi %mul3A_478, %add3A_479 : i32
      %dma_start3A_481 = arith.constant 0 : i32
      %dma_start3A_482 = arith.constant 2 : i32
      %dma_start3A_483 = arith.constant 0 : i32
      %dma_start3A_484 = arith.constant 0 : i32
      %dma_start3A_485 = arith.constant 0 : i32
      %dma_start3A_486 = tpu.memref_slice %arg6[%dma_start3A_481, %dma_start3A_483, %dma_start3A_484, %dma_start3A_485] : memref<2x8x26x32xf32, #tpu.memory_space<vmem>> -> memref<1x8x26x32xf32, #tpu.memory_space<vmem>>
      %dma_start3A_487 = tpu.memref_squeeze %dma_start3A_486 : memref<1x8x26x32xf32, #tpu.memory_space<vmem>> -> memref<8x26x32xf32, #tpu.memory_space<vmem>>
      %dma_start3A_488 = arith.constant 0 : i32
      %dma_start3A_489 = arith.constant 0 : i32
      %dma_start3A_490 = tpu.memref_slice %dma_start3A_487[%dma_start3A_482, %dma_start3A_488, %dma_start3A_489] : memref<8x26x32xf32, #tpu.memory_space<vmem>> -> memref<1x26x32xf32, #tpu.memory_space<vmem>>
      %dma_start3A_491 = tpu.memref_squeeze %dma_start3A_490 : memref<1x26x32xf32, #tpu.memory_space<vmem>> -> memref<26x32xf32, #tpu.memory_space<vmem>>
      %dma_start3A_492 = arith.constant 0 : i32
      %dma_start3A_493 = tpu.memref_slice %arg5[%add3A_480, %dma_start3A_492] : memref<512x26xi32, #tpu.memory_space<vmem>> -> memref<1x26xi32, #tpu.memory_space<vmem>>
      %dma_start3A_494 = tpu.memref_squeeze %dma_start3A_493 : memref<1x26xi32, #tpu.memory_space<vmem>> -> memref<26xi32, #tpu.memory_space<vmem>>
      %dma_start3A_495 = arith.constant 0 : i32
      %dma_start3A_496 = arith.constant 0 : i32
      %dma_start3A_497 = tpu.memref_slice %arg3[%dma_start3A_495, %dma_start3A_496] : memref<4000000x32xf32, #tpu.memory_space<hbm>> -> memref<4000000x32xf32, #tpu.memory_space<hbm>>
      tpu.enqueue_indirect_dma source(%dma_start3A_497 : memref<4000000x32xf32, #tpu.memory_space<hbm>>) target(%dma_start3A_491 : memref<26x32xf32, #tpu.memory_space<vmem>>) offsets(%dma_start3A_494 : memref<26xi32, #tpu.memory_space<vmem>>) semaphore(%arg7 : memref<!tpu.dma_semaphore, #tpu.memory_space<semaphore_mem>>)
      %mul3A_498 = arith.constant 8 : i32
      %mul3A_499 = arith.muli %add3A_434, %mul3A_498 : i32
      %add3A_500 = arith.constant 3 : i32
      %add3A_501 = arith.addi %mul3A_499, %add3A_500 : i32
      %dma_start3A_502 = arith.constant 0 : i32
      %dma_start3A_503 = arith.constant 3 : i32
      %dma_start3A_504 = arith.constant 0 : i32
      %dma_start3A_505 = arith.constant 0 : i32
      %dma_start3A_506 = arith.constant 0 : i32
      %dma_start3A_507 = tpu.memref_slice %arg6[%dma_start3A_502, %dma_start3A_504, %dma_start3A_505, %dma_start3A_506] : memref<2x8x26x32xf32, #tpu.memory_space<vmem>> -> memref<1x8x26x32xf32, #tpu.memory_space<vmem>>
      %dma_start3A_508 = tpu.memref_squeeze %dma_start3A_507 : memref<1x8x26x32xf32, #tpu.memory_space<vmem>> -> memref<8x26x32xf32, #tpu.memory_space<vmem>>
      %dma_start3A_509 = arith.constant 0 : i32
      %dma_start3A_510 = arith.constant 0 : i32
      %dma_start3A_511 = tpu.memref_slice %dma_start3A_508[%dma_start3A_503, %dma_start3A_509, %dma_start3A_510] : memref<8x26x32xf32, #tpu.memory_space<vmem>> -> memref<1x26x32xf32, #tpu.memory_space<vmem>>
      %dma_start3A_512 = tpu.memref_squeeze %dma_start3A_511 : memref<1x26x32xf32, #tpu.memory_space<vmem>> -> memref<26x32xf32, #tpu.memory_space<vmem>>
      %dma_start3A_513 = arith.constant 0 : i32
      %dma_start3A_514 = tpu.memref_slice %arg5[%add3A_501, %dma_start3A_513] : memref<512x26xi32, #tpu.memory_space<vmem>> -> memref<1x26xi32, #tpu.memory_space<vmem>>
      %dma_start3A_515 = tpu.memref_squeeze %dma_start3A_514 : memref<1x26xi32, #tpu.memory_space<vmem>> -> memref<26xi32, #tpu.memory_space<vmem>>
      %dma_start3A_516 = arith.constant 0 : i32
      %dma_start3A_517 = arith.constant 0 : i32
      %dma_start3A_518 = tpu.memref_slice %arg3[%dma_start3A_516, %dma_start3A_517] : memref<4000000x32xf32, #tpu.memory_space<hbm>> -> memref<4000000x32xf32, #tpu.memory_space<hbm>>
      tpu.enqueue_indirect_dma source(%dma_start3A_518 : memref<4000000x32xf32, #tpu.memory_space<hbm>>) target(%dma_start3A_512 : memref<26x32xf32, #tpu.memory_space<vmem>>) offsets(%dma_start3A_515 : memref<26xi32, #tpu.memory_space<vmem>>) semaphore(%arg7 : memref<!tpu.dma_semaphore, #tpu.memory_space<semaphore_mem>>)
      %mul3A_519 = arith.constant 8 : i32
      %mul3A_520 = arith.muli %add3A_434, %mul3A_519 : i32
      %add3A_521 = arith.constant 4 : i32
      %add3A_522 = arith.addi %mul3A_520, %add3A_521 : i32
      %dma_start3A_523 = arith.constant 0 : i32
      %dma_start3A_524 = arith.constant 4 : i32
      %dma_start3A_525 = arith.constant 0 : i32
      %dma_start3A_526 = arith.constant 0 : i32
      %dma_start3A_527 = arith.constant 0 : i32
      %dma_start3A_528 = tpu.memref_slice %arg6[%dma_start3A_523, %dma_start3A_525, %dma_start3A_526, %dma_start3A_527] : memref<2x8x26x32xf32, #tpu.memory_space<vmem>> -> memref<1x8x26x32xf32, #tpu.memory_space<vmem>>
      %dma_start3A_529 = tpu.memref_squeeze %dma_start3A_528 : memref<1x8x26x32xf32, #tpu.memory_space<vmem>> -> memref<8x26x32xf32, #tpu.memory_space<vmem>>
      %dma_start3A_530 = arith.constant 0 : i32
      %dma_start3A_531 = arith.constant 0 : i32
      %dma_start3A_532 = tpu.memref_slice %dma_start3A_529[%dma_start3A_524, %dma_start3A_530, %dma_start3A_531] : memref<8x26x32xf32, #tpu.memory_space<vmem>> -> memref<1x26x32xf32, #tpu.memory_space<vmem>>
      %dma_start3A_533 = tpu.memref_squeeze %dma_start3A_532 : memref<1x26x32xf32, #tpu.memory_space<vmem>> -> memref<26x32xf32, #tpu.memory_space<vmem>>
      %dma_start3A_534 = arith.constant 0 : i32
      %dma_start3A_535 = tpu.memref_slice %arg5[%add3A_522, %dma_start3A_534] : memref<512x26xi32, #tpu.memory_space<vmem>> -> memref<1x26xi32, #tpu.memory_space<vmem>>
      %dma_start3A_536 = tpu.memref_squeeze %dma_start3A_535 : memref<1x26xi32, #tpu.memory_space<vmem>> -> memref<26xi32, #tpu.memory_space<vmem>>
      %dma_start3A_537 = arith.constant 0 : i32
      %dma_start3A_538 = arith.constant 0 : i32
      %dma_start3A_539 = tpu.memref_slice %arg3[%dma_start3A_537, %dma_start3A_538] : memref<4000000x32xf32, #tpu.memory_space<hbm>> -> memref<4000000x32xf32, #tpu.memory_space<hbm>>
      tpu.enqueue_indirect_dma source(%dma_start3A_539 : memref<4000000x32xf32, #tpu.memory_space<hbm>>) target(%dma_start3A_533 : memref<26x32xf32, #tpu.memory_space<vmem>>) offsets(%dma_start3A_536 : memref<26xi32, #tpu.memory_space<vmem>>) semaphore(%arg7 : memref<!tpu.dma_semaphore, #tpu.memory_space<semaphore_mem>>)
      %mul3A_540 = arith.constant 8 : i32
      %mul3A_541 = arith.muli %add3A_434, %mul3A_540 : i32
      %add3A_542 = arith.constant 5 : i32
      %add3A_543 = arith.addi %mul3A_541, %add3A_542 : i32
      %dma_start3A_544 = arith.constant 0 : i32
      %dma_start3A_545 = arith.constant 5 : i32
      %dma_start3A_546 = arith.constant 0 : i32
      %dma_start3A_547 = arith.constant 0 : i32
      %dma_start3A_548 = arith.constant 0 : i32
      %dma_start3A_549 = tpu.memref_slice %arg6[%dma_start3A_544, %dma_start3A_546, %dma_start3A_547, %dma_start3A_548] : memref<2x8x26x32xf32, #tpu.memory_space<vmem>> -> memref<1x8x26x32xf32, #tpu.memory_space<vmem>>
      %dma_start3A_550 = tpu.memref_squeeze %dma_start3A_549 : memref<1x8x26x32xf32, #tpu.memory_space<vmem>> -> memref<8x26x32xf32, #tpu.memory_space<vmem>>
      %dma_start3A_551 = arith.constant 0 : i32
      %dma_start3A_552 = arith.constant 0 : i32
      %dma_start3A_553 = tpu.memref_slice %dma_start3A_550[%dma_start3A_545, %dma_start3A_551, %dma_start3A_552] : memref<8x26x32xf32, #tpu.memory_space<vmem>> -> memref<1x26x32xf32, #tpu.memory_space<vmem>>
      %dma_start3A_554 = tpu.memref_squeeze %dma_start3A_553 : memref<1x26x32xf32, #tpu.memory_space<vmem>> -> memref<26x32xf32, #tpu.memory_space<vmem>>
      %dma_start3A_555 = arith.constant 0 : i32
      %dma_start3A_556 = tpu.memref_slice %arg5[%add3A_543, %dma_start3A_555] : memref<512x26xi32, #tpu.memory_space<vmem>> -> memref<1x26xi32, #tpu.memory_space<vmem>>
      %dma_start3A_557 = tpu.memref_squeeze %dma_start3A_556 : memref<1x26xi32, #tpu.memory_space<vmem>> -> memref<26xi32, #tpu.memory_space<vmem>>
      %dma_start3A_558 = arith.constant 0 : i32
      %dma_start3A_559 = arith.constant 0 : i32
      %dma_start3A_560 = tpu.memref_slice %arg3[%dma_start3A_558, %dma_start3A_559] : memref<4000000x32xf32, #tpu.memory_space<hbm>> -> memref<4000000x32xf32, #tpu.memory_space<hbm>>
      tpu.enqueue_indirect_dma source(%dma_start3A_560 : memref<4000000x32xf32, #tpu.memory_space<hbm>>) target(%dma_start3A_554 : memref<26x32xf32, #tpu.memory_space<vmem>>) offsets(%dma_start3A_557 : memref<26xi32, #tpu.memory_space<vmem>>) semaphore(%arg7 : memref<!tpu.dma_semaphore, #tpu.memory_space<semaphore_mem>>)
      %mul3A_561 = arith.constant 8 : i32
      %mul3A_562 = arith.muli %add3A_434, %mul3A_561 : i32
      %add3A_563 = arith.constant 6 : i32
      %add3A_564 = arith.addi %mul3A_562, %add3A_563 : i32
      %dma_start3A_565 = arith.constant 0 : i32
      %dma_start3A_566 = arith.constant 6 : i32
      %dma_start3A_567 = arith.constant 0 : i32
      %dma_start3A_568 = arith.constant 0 : i32
      %dma_start3A_569 = arith.constant 0 : i32
      %dma_start3A_570 = tpu.memref_slice %arg6[%dma_start3A_565, %dma_start3A_567, %dma_start3A_568, %dma_start3A_569] : memref<2x8x26x32xf32, #tpu.memory_space<vmem>> -> memref<1x8x26x32xf32, #tpu.memory_space<vmem>>
      %dma_start3A_571 = tpu.memref_squeeze %dma_start3A_570 : memref<1x8x26x32xf32, #tpu.memory_space<vmem>> -> memref<8x26x32xf32, #tpu.memory_space<vmem>>
      %dma_start3A_572 = arith.constant 0 : i32
      %dma_start3A_573 = arith.constant 0 : i32
      %dma_start3A_574 = tpu.memref_slice %dma_start3A_571[%dma_start3A_566, %dma_start3A_572, %dma_start3A_573] : memref<8x26x32xf32, #tpu.memory_space<vmem>> -> memref<1x26x32xf32, #tpu.memory_space<vmem>>
      %dma_start3A_575 = tpu.memref_squeeze %dma_start3A_574 : memref<1x26x32xf32, #tpu.memory_space<vmem>> -> memref<26x32xf32, #tpu.memory_space<vmem>>
      %dma_start3A_576 = arith.constant 0 : i32
      %dma_start3A_577 = tpu.memref_slice %arg5[%add3A_564, %dma_start3A_576] : memref<512x26xi32, #tpu.memory_space<vmem>> -> memref<1x26xi32, #tpu.memory_space<vmem>>
      %dma_start3A_578 = tpu.memref_squeeze %dma_start3A_577 : memref<1x26xi32, #tpu.memory_space<vmem>> -> memref<26xi32, #tpu.memory_space<vmem>>
      %dma_start3A_579 = arith.constant 0 : i32
      %dma_start3A_580 = arith.constant 0 : i32
      %dma_start3A_581 = tpu.memref_slice %arg3[%dma_start3A_579, %dma_start3A_580] : memref<4000000x32xf32, #tpu.memory_space<hbm>> -> memref<4000000x32xf32, #tpu.memory_space<hbm>>
      tpu.enqueue_indirect_dma source(%dma_start3A_581 : memref<4000000x32xf32, #tpu.memory_space<hbm>>) target(%dma_start3A_575 : memref<26x32xf32, #tpu.memory_space<vmem>>) offsets(%dma_start3A_578 : memref<26xi32, #tpu.memory_space<vmem>>) semaphore(%arg7 : memref<!tpu.dma_semaphore, #tpu.memory_space<semaphore_mem>>)
      %mul3A_582 = arith.constant 8 : i32
      %mul3A_583 = arith.muli %add3A_434, %mul3A_582 : i32
      %add3A_584 = arith.constant 7 : i32
      %add3A_585 = arith.addi %mul3A_583, %add3A_584 : i32
      %dma_start3A_586 = arith.constant 0 : i32
      %dma_start3A_587 = arith.constant 7 : i32
      %dma_start3A_588 = arith.constant 0 : i32
      %dma_start3A_589 = arith.constant 0 : i32
      %dma_start3A_590 = arith.constant 0 : i32
      %dma_start3A_591 = tpu.memref_slice %arg6[%dma_start3A_586, %dma_start3A_588, %dma_start3A_589, %dma_start3A_590] : memref<2x8x26x32xf32, #tpu.memory_space<vmem>> -> memref<1x8x26x32xf32, #tpu.memory_space<vmem>>
      %dma_start3A_592 = tpu.memref_squeeze %dma_start3A_591 : memref<1x8x26x32xf32, #tpu.memory_space<vmem>> -> memref<8x26x32xf32, #tpu.memory_space<vmem>>
      %dma_start3A_593 = arith.constant 0 : i32
      %dma_start3A_594 = arith.constant 0 : i32
      %dma_start3A_595 = tpu.memref_slice %dma_start3A_592[%dma_start3A_587, %dma_start3A_593, %dma_start3A_594] : memref<8x26x32xf32, #tpu.memory_space<vmem>> -> memref<1x26x32xf32, #tpu.memory_space<vmem>>
      %dma_start3A_596 = tpu.memref_squeeze %dma_start3A_595 : memref<1x26x32xf32, #tpu.memory_space<vmem>> -> memref<26x32xf32, #tpu.memory_space<vmem>>
      %dma_start3A_597 = arith.constant 0 : i32
      %dma_start3A_598 = tpu.memref_slice %arg5[%add3A_585, %dma_start3A_597] : memref<512x26xi32, #tpu.memory_space<vmem>> -> memref<1x26xi32, #tpu.memory_space<vmem>>
      %dma_start3A_599 = tpu.memref_squeeze %dma_start3A_598 : memref<1x26xi32, #tpu.memory_space<vmem>> -> memref<26xi32, #tpu.memory_space<vmem>>
      %dma_start3A_600 = arith.constant 0 : i32
      %dma_start3A_601 = arith.constant 0 : i32
      %dma_start3A_602 = tpu.memref_slice %arg3[%dma_start3A_600, %dma_start3A_601] : memref<4000000x32xf32, #tpu.memory_space<hbm>> -> memref<4000000x32xf32, #tpu.memory_space<hbm>>
      tpu.enqueue_indirect_dma source(%dma_start3A_602 : memref<4000000x32xf32, #tpu.memory_space<hbm>>) target(%dma_start3A_596 : memref<26x32xf32, #tpu.memory_space<vmem>>) offsets(%dma_start3A_599 : memref<26xi32, #tpu.memory_space<vmem>>) semaphore(%arg7 : memref<!tpu.dma_semaphore, #tpu.memory_space<semaphore_mem>>)
      %dma_wait3A_603 = arith.constant 1 : i32
      %dma_wait3A_604 = arith.constant 0 : i32
      %dma_wait3A_605 = arith.constant 0 : i32
      %dma_wait3A_606 = arith.constant 0 : i32
      %dma_wait3A_607 = tpu.memref_slice %arg6[%dma_wait3A_603, %dma_wait3A_604, %dma_wait3A_605, %dma_wait3A_606] : memref<2x8x26x32xf32, #tpu.memory_space<vmem>> -> memref<1x8x26x32xf32, #tpu.memory_space<vmem>>
      %dma_wait3A_608 = tpu.memref_squeeze %dma_wait3A_607 : memref<1x8x26x32xf32, #tpu.memory_space<vmem>> -> memref<8x26x32xf32, #tpu.memory_space<vmem>>
      %dma_wait3A_609 = arith.constant 0 : i32
      %dma_wait3A_610 = arith.constant 0 : i32
      %dma_wait3A_611 = arith.constant 0 : i32
      %dma_wait3A_612 = tpu.memref_slice %arg4[%dma_wait3A_609, %dma_wait3A_610, %dma_wait3A_611] : memref<16384x32x128xf32, #tpu.memory_space<hbm>> -> memref<8x26x32xf32, #tpu.memory_space<hbm>>
      %dma_wait3A_613 = arith.constant 0 : i32
      %dma_wait3A_614 = arith.constant 0 : i32
      %dma_wait3A_615 = arith.constant 0 : i32
      %dma_wait3A_616 = tpu.memref_slice %arg6[%dma_wait3A_603, %dma_wait3A_613, %dma_wait3A_614, %dma_wait3A_615] : memref<2x8x26x32xf32, #tpu.memory_space<vmem>> -> memref<1x8x26x32xf32, #tpu.memory_space<vmem>>
      %dma_wait3A_617 = tpu.memref_squeeze %dma_wait3A_616 : memref<1x8x26x32xf32, #tpu.memory_space<vmem>> -> memref<8x26x32xf32, #tpu.memory_space<vmem>>
      %dma_wait3A_618 = arith.constant 0 : i32
      %dma_wait3A_619 = arith.constant 0 : i32
      %dma_wait3A_620 = arith.constant 0 : i32
      %dma_wait3A_621 = tpu.memref_slice %arg4[%dma_wait3A_618, %dma_wait3A_619, %dma_wait3A_620] : memref<16384x32x128xf32, #tpu.memory_space<hbm>> -> memref<8x26x32xf32, #tpu.memory_space<hbm>>
      tpu.wait_dma2 semaphore(%arg8 : memref<!tpu.dma_semaphore, #tpu.memory_space<semaphore_mem>>) src(%dma_wait3A_621 : memref<8x26x32xf32, #tpu.memory_space<hbm>>) dst(%dma_wait3A_617 : memref<8x26x32xf32, #tpu.memory_space<vmem>>)
      %mul3A_622 = arith.constant 8 : i32
      %mul3A_623 = arith.muli %add3A_413, %mul3A_622 : i32
      %add3A_624 = arith.addi %mul3A_4, %mul3A_623 : i32
      %dma_start3A_625 = arith.constant 1 : i32
      %dma_start3A_626 = arith.constant 0 : i32
      %dma_start3A_627 = arith.constant 0 : i32
      %dma_start3A_628 = arith.constant 0 : i32
      %dma_start3A_629 = tpu.memref_slice %arg6[%dma_start3A_625, %dma_start3A_626, %dma_start3A_627, %dma_start3A_628] : memref<2x8x26x32xf32, #tpu.memory_space<vmem>> -> memref<1x8x26x32xf32, #tpu.memory_space<vmem>>
      %dma_start3A_630 = tpu.memref_squeeze %dma_start3A_629 : memref<1x8x26x32xf32, #tpu.memory_space<vmem>> -> memref<8x26x32xf32, #tpu.memory_space<vmem>>
      %dma_start3A_631 = arith.constant 0 : i32
      %dma_start3A_632 = arith.constant 0 : i32
      %dma_start3A_633 = tpu.memref_slice %arg4[%add3A_624, %dma_start3A_631, %dma_start3A_632] : memref<16384x32x128xf32, #tpu.memory_space<hbm>> -> memref<8x26x32xf32, #tpu.memory_space<hbm>>
      %dma_start3A_634 = arith.constant 0 : i32
      %dma_start3A_635 = arith.constant 0 : i32
      %dma_start3A_636 = tpu.memref_slice %arg4[%add3A_624, %dma_start3A_634, %dma_start3A_635] : memref<16384x32x128xf32, #tpu.memory_space<hbm>> -> memref<8x26x32xf32, #tpu.memory_space<hbm>>
      %dma_start3A_637 = arith.constant 0 : i32
      %dma_start3A_638 = arith.constant 0 : i32
      %dma_start3A_639 = arith.constant 0 : i32
      %dma_start3A_640 = tpu.memref_slice %arg6[%dma_start3A_625, %dma_start3A_637, %dma_start3A_638, %dma_start3A_639] : memref<2x8x26x32xf32, #tpu.memory_space<vmem>> -> memref<1x8x26x32xf32, #tpu.memory_space<vmem>>
      %dma_start3A_641 = tpu.memref_squeeze %dma_start3A_640 : memref<1x8x26x32xf32, #tpu.memory_space<vmem>> -> memref<8x26x32xf32, #tpu.memory_space<vmem>>
      tpu.enqueue_dma source(%dma_start3A_641 : memref<8x26x32xf32, #tpu.memory_space<vmem>>) target(%dma_start3A_636 : memref<8x26x32xf32, #tpu.memory_space<hbm>>) target_semaphore(%arg10 : memref<!tpu.dma_semaphore, #tpu.memory_space<semaphore_mem>>)
      %add3A_642 = arith.constant 1 : i32
      %add3A_643 = arith.addi %add3A_413, %add3A_642 : i32
      %dma_wait3A_644 = arith.constant 1 : i32
      %dma_wait3A_645 = arith.constant 0 : i32
      %dma_wait3A_646 = arith.constant 0 : i32
      %dma_wait3A_647 = arith.constant 0 : i32
      %dma_wait3A_648 = tpu.memref_slice %arg6[%dma_wait3A_644, %dma_wait3A_645, %dma_wait3A_646, %dma_wait3A_647] : memref<2x8x26x32xf32, #tpu.memory_space<vmem>> -> memref<1x8x26x32xf32, #tpu.memory_space<vmem>>
      %dma_wait3A_649 = tpu.memref_squeeze %dma_wait3A_648 : memref<1x8x26x32xf32, #tpu.memory_space<vmem>> -> memref<8x26x32xf32, #tpu.memory_space<vmem>>
      %dma_wait3A_650 = arith.constant 0 : i32
      %dma_wait3A_651 = arith.constant 0 : i32
      %dma_wait3A_652 = arith.constant 0 : i32
      %dma_wait3A_653 = tpu.memref_slice %arg4[%dma_wait3A_650, %dma_wait3A_651, %dma_wait3A_652] : memref<16384x32x128xf32, #tpu.memory_space<hbm>> -> memref<8x26x32xf32, #tpu.memory_space<hbm>>
      %dma_wait3A_654 = arith.constant 0 : i32
      %dma_wait3A_655 = arith.constant 0 : i32
      %dma_wait3A_656 = arith.constant 0 : i32
      %dma_wait3A_657 = tpu.memref_slice %arg4[%dma_wait3A_654, %dma_wait3A_655, %dma_wait3A_656] : memref<16384x32x128xf32, #tpu.memory_space<hbm>> -> memref<8x26x32xf32, #tpu.memory_space<hbm>>
      %dma_wait3A_658 = arith.constant 0 : i32
      %dma_wait3A_659 = arith.constant 0 : i32
      %dma_wait3A_660 = arith.constant 0 : i32
      %dma_wait3A_661 = tpu.memref_slice %arg6[%dma_wait3A_644, %dma_wait3A_658, %dma_wait3A_659, %dma_wait3A_660] : memref<2x8x26x32xf32, #tpu.memory_space<vmem>> -> memref<1x8x26x32xf32, #tpu.memory_space<vmem>>
      %dma_wait3A_662 = tpu.memref_squeeze %dma_wait3A_661 : memref<1x8x26x32xf32, #tpu.memory_space<vmem>> -> memref<8x26x32xf32, #tpu.memory_space<vmem>>
      tpu.wait_dma2 semaphore(%arg10 : memref<!tpu.dma_semaphore, #tpu.memory_space<semaphore_mem>>) src(%dma_wait3A_662 : memref<8x26x32xf32, #tpu.memory_space<vmem>>) dst(%dma_wait3A_657 : memref<8x26x32xf32, #tpu.memory_space<hbm>>)
      %add3A_663 = arith.constant 1 : i32
      %add3A_664 = arith.addi %add3A_643, %add3A_663 : i32
      %mul3A_665 = arith.constant 8 : i32
      %mul3A_666 = arith.muli %add3A_664, %mul3A_665 : i32
      %add3A_667 = arith.constant 0 : i32
      %add3A_668 = arith.addi %mul3A_666, %add3A_667 : i32
      %dma_start3A_669 = arith.constant 1 : i32
      %dma_start3A_670 = arith.constant 0 : i32
      %dma_start3A_671 = arith.constant 0 : i32
      %dma_start3A_672 = arith.constant 0 : i32
      %dma_start3A_673 = arith.constant 0 : i32
      %dma_start3A_674 = tpu.memref_slice %arg6[%dma_start3A_669, %dma_start3A_671, %dma_start3A_672, %dma_start3A_673] : memref<2x8x26x32xf32, #tpu.memory_space<vmem>> -> memref<1x8x26x32xf32, #tpu.memory_space<vmem>>
      %dma_start3A_675 = tpu.memref_squeeze %dma_start3A_674 : memref<1x8x26x32xf32, #tpu.memory_space<vmem>> -> memref<8x26x32xf32, #tpu.memory_space<vmem>>
      %dma_start3A_676 = arith.constant 0 : i32
      %dma_start3A_677 = arith.constant 0 : i32
      %dma_start3A_678 = tpu.memref_slice %dma_start3A_675[%dma_start3A_670, %dma_start3A_676, %dma_start3A_677] : memref<8x26x32xf32, #tpu.memory_space<vmem>> -> memref<1x26x32xf32, #tpu.memory_space<vmem>>
      %dma_start3A_679 = tpu.memref_squeeze %dma_start3A_678 : memref<1x26x32xf32, #tpu.memory_space<vmem>> -> memref<26x32xf32, #tpu.memory_space<vmem>>
      %dma_start3A_680 = arith.constant 0 : i32
      %dma_start3A_681 = tpu.memref_slice %arg5[%add3A_668, %dma_start3A_680] : memref<512x26xi32, #tpu.memory_space<vmem>> -> memref<1x26xi32, #tpu.memory_space<vmem>>
      %dma_start3A_682 = tpu.memref_squeeze %dma_start3A_681 : memref<1x26xi32, #tpu.memory_space<vmem>> -> memref<26xi32, #tpu.memory_space<vmem>>
      %dma_start3A_683 = arith.constant 0 : i32
      %dma_start3A_684 = arith.constant 0 : i32
      %dma_start3A_685 = tpu.memref_slice %arg3[%dma_start3A_683, %dma_start3A_684] : memref<4000000x32xf32, #tpu.memory_space<hbm>> -> memref<4000000x32xf32, #tpu.memory_space<hbm>>
      tpu.enqueue_indirect_dma source(%dma_start3A_685 : memref<4000000x32xf32, #tpu.memory_space<hbm>>) target(%dma_start3A_679 : memref<26x32xf32, #tpu.memory_space<vmem>>) offsets(%dma_start3A_682 : memref<26xi32, #tpu.memory_space<vmem>>) semaphore(%arg8 : memref<!tpu.dma_semaphore, #tpu.memory_space<semaphore_mem>>)
      %mul3A_686 = arith.constant 8 : i32
      %mul3A_687 = arith.muli %add3A_664, %mul3A_686 : i32
      %add3A_688 = arith.constant 1 : i32
      %add3A_689 = arith.addi %mul3A_687, %add3A_688 : i32
      %dma_start3A_690 = arith.constant 1 : i32
      %dma_start3A_691 = arith.constant 1 : i32
      %dma_start3A_692 = arith.constant 0 : i32
      %dma_start3A_693 = arith.constant 0 : i32
      %dma_start3A_694 = arith.constant 0 : i32
      %dma_start3A_695 = tpu.memref_slice %arg6[%dma_start3A_690, %dma_start3A_692, %dma_start3A_693, %dma_start3A_694] : memref<2x8x26x32xf32, #tpu.memory_space<vmem>> -> memref<1x8x26x32xf32, #tpu.memory_space<vmem>>
      %dma_start3A_696 = tpu.memref_squeeze %dma_start3A_695 : memref<1x8x26x32xf32, #tpu.memory_space<vmem>> -> memref<8x26x32xf32, #tpu.memory_space<vmem>>
      %dma_start3A_697 = arith.constant 0 : i32
      %dma_start3A_698 = arith.constant 0 : i32
      %dma_start3A_699 = tpu.memref_slice %dma_start3A_696[%dma_start3A_691, %dma_start3A_697, %dma_start3A_698] : memref<8x26x32xf32, #tpu.memory_space<vmem>> -> memref<1x26x32xf32, #tpu.memory_space<vmem>>
      %dma_start3A_700 = tpu.memref_squeeze %dma_start3A_699 : memref<1x26x32xf32, #tpu.memory_space<vmem>> -> memref<26x32xf32, #tpu.memory_space<vmem>>
      %dma_start3A_701 = arith.constant 0 : i32
      %dma_start3A_702 = tpu.memref_slice %arg5[%add3A_689, %dma_start3A_701] : memref<512x26xi32, #tpu.memory_space<vmem>> -> memref<1x26xi32, #tpu.memory_space<vmem>>
      %dma_start3A_703 = tpu.memref_squeeze %dma_start3A_702 : memref<1x26xi32, #tpu.memory_space<vmem>> -> memref<26xi32, #tpu.memory_space<vmem>>
      %dma_start3A_704 = arith.constant 0 : i32
      %dma_start3A_705 = arith.constant 0 : i32
      %dma_start3A_706 = tpu.memref_slice %arg3[%dma_start3A_704, %dma_start3A_705] : memref<4000000x32xf32, #tpu.memory_space<hbm>> -> memref<4000000x32xf32, #tpu.memory_space<hbm>>
      tpu.enqueue_indirect_dma source(%dma_start3A_706 : memref<4000000x32xf32, #tpu.memory_space<hbm>>) target(%dma_start3A_700 : memref<26x32xf32, #tpu.memory_space<vmem>>) offsets(%dma_start3A_703 : memref<26xi32, #tpu.memory_space<vmem>>) semaphore(%arg8 : memref<!tpu.dma_semaphore, #tpu.memory_space<semaphore_mem>>)
      %mul3A_707 = arith.constant 8 : i32
      %mul3A_708 = arith.muli %add3A_664, %mul3A_707 : i32
      %add3A_709 = arith.constant 2 : i32
      %add3A_710 = arith.addi %mul3A_708, %add3A_709 : i32
      %dma_start3A_711 = arith.constant 1 : i32
      %dma_start3A_712 = arith.constant 2 : i32
      %dma_start3A_713 = arith.constant 0 : i32
      %dma_start3A_714 = arith.constant 0 : i32
      %dma_start3A_715 = arith.constant 0 : i32
      %dma_start3A_716 = tpu.memref_slice %arg6[%dma_start3A_711, %dma_start3A_713, %dma_start3A_714, %dma_start3A_715] : memref<2x8x26x32xf32, #tpu.memory_space<vmem>> -> memref<1x8x26x32xf32, #tpu.memory_space<vmem>>
      %dma_start3A_717 = tpu.memref_squeeze %dma_start3A_716 : memref<1x8x26x32xf32, #tpu.memory_space<vmem>> -> memref<8x26x32xf32, #tpu.memory_space<vmem>>
      %dma_start3A_718 = arith.constant 0 : i32
      %dma_start3A_719 = arith.constant 0 : i32
      %dma_start3A_720 = tpu.memref_slice %dma_start3A_717[%dma_start3A_712, %dma_start3A_718, %dma_start3A_719] : memref<8x26x32xf32, #tpu.memory_space<vmem>> -> memref<1x26x32xf32, #tpu.memory_space<vmem>>
      %dma_start3A_721 = tpu.memref_squeeze %dma_start3A_720 : memref<1x26x32xf32, #tpu.memory_space<vmem>> -> memref<26x32xf32, #tpu.memory_space<vmem>>
      %dma_start3A_722 = arith.constant 0 : i32
      %dma_start3A_723 = tpu.memref_slice %arg5[%add3A_710, %dma_start3A_722] : memref<512x26xi32, #tpu.memory_space<vmem>> -> memref<1x26xi32, #tpu.memory_space<vmem>>
      %dma_start3A_724 = tpu.memref_squeeze %dma_start3A_723 : memref<1x26xi32, #tpu.memory_space<vmem>> -> memref<26xi32, #tpu.memory_space<vmem>>
      %dma_start3A_725 = arith.constant 0 : i32
      %dma_start3A_726 = arith.constant 0 : i32
      %dma_start3A_727 = tpu.memref_slice %arg3[%dma_start3A_725, %dma_start3A_726] : memref<4000000x32xf32, #tpu.memory_space<hbm>> -> memref<4000000x32xf32, #tpu.memory_space<hbm>>
      tpu.enqueue_indirect_dma source(%dma_start3A_727 : memref<4000000x32xf32, #tpu.memory_space<hbm>>) target(%dma_start3A_721 : memref<26x32xf32, #tpu.memory_space<vmem>>) offsets(%dma_start3A_724 : memref<26xi32, #tpu.memory_space<vmem>>) semaphore(%arg8 : memref<!tpu.dma_semaphore, #tpu.memory_space<semaphore_mem>>)
      %mul3A_728 = arith.constant 8 : i32
      %mul3A_729 = arith.muli %add3A_664, %mul3A_728 : i32
      %add3A_730 = arith.constant 3 : i32
      %add3A_731 = arith.addi %mul3A_729, %add3A_730 : i32
      %dma_start3A_732 = arith.constant 1 : i32
      %dma_start3A_733 = arith.constant 3 : i32
      %dma_start3A_734 = arith.constant 0 : i32
      %dma_start3A_735 = arith.constant 0 : i32
      %dma_start3A_736 = arith.constant 0 : i32
      %dma_start3A_737 = tpu.memref_slice %arg6[%dma_start3A_732, %dma_start3A_734, %dma_start3A_735, %dma_start3A_736] : memref<2x8x26x32xf32, #tpu.memory_space<vmem>> -> memref<1x8x26x32xf32, #tpu.memory_space<vmem>>
      %dma_start3A_738 = tpu.memref_squeeze %dma_start3A_737 : memref<1x8x26x32xf32, #tpu.memory_space<vmem>> -> memref<8x26x32xf32, #tpu.memory_space<vmem>>
      %dma_start3A_739 = arith.constant 0 : i32
      %dma_start3A_740 = arith.constant 0 : i32
      %dma_start3A_741 = tpu.memref_slice %dma_start3A_738[%dma_start3A_733, %dma_start3A_739, %dma_start3A_740] : memref<8x26x32xf32, #tpu.memory_space<vmem>> -> memref<1x26x32xf32, #tpu.memory_space<vmem>>
      %dma_start3A_742 = tpu.memref_squeeze %dma_start3A_741 : memref<1x26x32xf32, #tpu.memory_space<vmem>> -> memref<26x32xf32, #tpu.memory_space<vmem>>
      %dma_start3A_743 = arith.constant 0 : i32
      %dma_start3A_744 = tpu.memref_slice %arg5[%add3A_731, %dma_start3A_743] : memref<512x26xi32, #tpu.memory_space<vmem>> -> memref<1x26xi32, #tpu.memory_space<vmem>>
      %dma_start3A_745 = tpu.memref_squeeze %dma_start3A_744 : memref<1x26xi32, #tpu.memory_space<vmem>> -> memref<26xi32, #tpu.memory_space<vmem>>
      %dma_start3A_746 = arith.constant 0 : i32
      %dma_start3A_747 = arith.constant 0 : i32
      %dma_start3A_748 = tpu.memref_slice %arg3[%dma_start3A_746, %dma_start3A_747] : memref<4000000x32xf32, #tpu.memory_space<hbm>> -> memref<4000000x32xf32, #tpu.memory_space<hbm>>
      tpu.enqueue_indirect_dma source(%dma_start3A_748 : memref<4000000x32xf32, #tpu.memory_space<hbm>>) target(%dma_start3A_742 : memref<26x32xf32, #tpu.memory_space<vmem>>) offsets(%dma_start3A_745 : memref<26xi32, #tpu.memory_space<vmem>>) semaphore(%arg8 : memref<!tpu.dma_semaphore, #tpu.memory_space<semaphore_mem>>)
      %mul3A_749 = arith.constant 8 : i32
      %mul3A_750 = arith.muli %add3A_664, %mul3A_749 : i32
      %add3A_751 = arith.constant 4 : i32
      %add3A_752 = arith.addi %mul3A_750, %add3A_751 : i32
      %dma_start3A_753 = arith.constant 1 : i32
      %dma_start3A_754 = arith.constant 4 : i32
      %dma_start3A_755 = arith.constant 0 : i32
      %dma_start3A_756 = arith.constant 0 : i32
      %dma_start3A_757 = arith.constant 0 : i32
      %dma_start3A_758 = tpu.memref_slice %arg6[%dma_start3A_753, %dma_start3A_755, %dma_start3A_756, %dma_start3A_757] : memref<2x8x26x32xf32, #tpu.memory_space<vmem>> -> memref<1x8x26x32xf32, #tpu.memory_space<vmem>>
      %dma_start3A_759 = tpu.memref_squeeze %dma_start3A_758 : memref<1x8x26x32xf32, #tpu.memory_space<vmem>> -> memref<8x26x32xf32, #tpu.memory_space<vmem>>
      %dma_start3A_760 = arith.constant 0 : i32
      %dma_start3A_761 = arith.constant 0 : i32
      %dma_start3A_762 = tpu.memref_slice %dma_start3A_759[%dma_start3A_754, %dma_start3A_760, %dma_start3A_761] : memref<8x26x32xf32, #tpu.memory_space<vmem>> -> memref<1x26x32xf32, #tpu.memory_space<vmem>>
      %dma_start3A_763 = tpu.memref_squeeze %dma_start3A_762 : memref<1x26x32xf32, #tpu.memory_space<vmem>> -> memref<26x32xf32, #tpu.memory_space<vmem>>
      %dma_start3A_764 = arith.constant 0 : i32
      %dma_start3A_765 = tpu.memref_slice %arg5[%add3A_752, %dma_start3A_764] : memref<512x26xi32, #tpu.memory_space<vmem>> -> memref<1x26xi32, #tpu.memory_space<vmem>>
      %dma_start3A_766 = tpu.memref_squeeze %dma_start3A_765 : memref<1x26xi32, #tpu.memory_space<vmem>> -> memref<26xi32, #tpu.memory_space<vmem>>
      %dma_start3A_767 = arith.constant 0 : i32
      %dma_start3A_768 = arith.constant 0 : i32
      %dma_start3A_769 = tpu.memref_slice %arg3[%dma_start3A_767, %dma_start3A_768] : memref<4000000x32xf32, #tpu.memory_space<hbm>> -> memref<4000000x32xf32, #tpu.memory_space<hbm>>
      tpu.enqueue_indirect_dma source(%dma_start3A_769 : memref<4000000x32xf32, #tpu.memory_space<hbm>>) target(%dma_start3A_763 : memref<26x32xf32, #tpu.memory_space<vmem>>) offsets(%dma_start3A_766 : memref<26xi32, #tpu.memory_space<vmem>>) semaphore(%arg8 : memref<!tpu.dma_semaphore, #tpu.memory_space<semaphore_mem>>)
      %mul3A_770 = arith.constant 8 : i32
      %mul3A_771 = arith.muli %add3A_664, %mul3A_770 : i32
      %add3A_772 = arith.constant 5 : i32
      %add3A_773 = arith.addi %mul3A_771, %add3A_772 : i32
      %dma_start3A_774 = arith.constant 1 : i32
      %dma_start3A_775 = arith.constant 5 : i32
      %dma_start3A_776 = arith.constant 0 : i32
      %dma_start3A_777 = arith.constant 0 : i32
      %dma_start3A_778 = arith.constant 0 : i32
      %dma_start3A_779 = tpu.memref_slice %arg6[%dma_start3A_774, %dma_start3A_776, %dma_start3A_777, %dma_start3A_778] : memref<2x8x26x32xf32, #tpu.memory_space<vmem>> -> memref<1x8x26x32xf32, #tpu.memory_space<vmem>>
      %dma_start3A_780 = tpu.memref_squeeze %dma_start3A_779 : memref<1x8x26x32xf32, #tpu.memory_space<vmem>> -> memref<8x26x32xf32, #tpu.memory_space<vmem>>
      %dma_start3A_781 = arith.constant 0 : i32
      %dma_start3A_782 = arith.constant 0 : i32
      %dma_start3A_783 = tpu.memref_slice %dma_start3A_780[%dma_start3A_775, %dma_start3A_781, %dma_start3A_782] : memref<8x26x32xf32, #tpu.memory_space<vmem>> -> memref<1x26x32xf32, #tpu.memory_space<vmem>>
      %dma_start3A_784 = tpu.memref_squeeze %dma_start3A_783 : memref<1x26x32xf32, #tpu.memory_space<vmem>> -> memref<26x32xf32, #tpu.memory_space<vmem>>
      %dma_start3A_785 = arith.constant 0 : i32
      %dma_start3A_786 = tpu.memref_slice %arg5[%add3A_773, %dma_start3A_785] : memref<512x26xi32, #tpu.memory_space<vmem>> -> memref<1x26xi32, #tpu.memory_space<vmem>>
      %dma_start3A_787 = tpu.memref_squeeze %dma_start3A_786 : memref<1x26xi32, #tpu.memory_space<vmem>> -> memref<26xi32, #tpu.memory_space<vmem>>
      %dma_start3A_788 = arith.constant 0 : i32
      %dma_start3A_789 = arith.constant 0 : i32
      %dma_start3A_790 = tpu.memref_slice %arg3[%dma_start3A_788, %dma_start3A_789] : memref<4000000x32xf32, #tpu.memory_space<hbm>> -> memref<4000000x32xf32, #tpu.memory_space<hbm>>
      tpu.enqueue_indirect_dma source(%dma_start3A_790 : memref<4000000x32xf32, #tpu.memory_space<hbm>>) target(%dma_start3A_784 : memref<26x32xf32, #tpu.memory_space<vmem>>) offsets(%dma_start3A_787 : memref<26xi32, #tpu.memory_space<vmem>>) semaphore(%arg8 : memref<!tpu.dma_semaphore, #tpu.memory_space<semaphore_mem>>)
      %mul3A_791 = arith.constant 8 : i32
      %mul3A_792 = arith.muli %add3A_664, %mul3A_791 : i32
      %add3A_793 = arith.constant 6 : i32
      %add3A_794 = arith.addi %mul3A_792, %add3A_793 : i32
      %dma_start3A_795 = arith.constant 1 : i32
      %dma_start3A_796 = arith.constant 6 : i32
      %dma_start3A_797 = arith.constant 0 : i32
      %dma_start3A_798 = arith.constant 0 : i32
      %dma_start3A_799 = arith.constant 0 : i32
      %dma_start3A_800 = tpu.memref_slice %arg6[%dma_start3A_795, %dma_start3A_797, %dma_start3A_798, %dma_start3A_799] : memref<2x8x26x32xf32, #tpu.memory_space<vmem>> -> memref<1x8x26x32xf32, #tpu.memory_space<vmem>>
      %dma_start3A_801 = tpu.memref_squeeze %dma_start3A_800 : memref<1x8x26x32xf32, #tpu.memory_space<vmem>> -> memref<8x26x32xf32, #tpu.memory_space<vmem>>
      %dma_start3A_802 = arith.constant 0 : i32
      %dma_start3A_803 = arith.constant 0 : i32
      %dma_start3A_804 = tpu.memref_slice %dma_start3A_801[%dma_start3A_796, %dma_start3A_802, %dma_start3A_803] : memref<8x26x32xf32, #tpu.memory_space<vmem>> -> memref<1x26x32xf32, #tpu.memory_space<vmem>>
      %dma_start3A_805 = tpu.memref_squeeze %dma_start3A_804 : memref<1x26x32xf32, #tpu.memory_space<vmem>> -> memref<26x32xf32, #tpu.memory_space<vmem>>
      %dma_start3A_806 = arith.constant 0 : i32
      %dma_start3A_807 = tpu.memref_slice %arg5[%add3A_794, %dma_start3A_806] : memref<512x26xi32, #tpu.memory_space<vmem>> -> memref<1x26xi32, #tpu.memory_space<vmem>>
      %dma_start3A_808 = tpu.memref_squeeze %dma_start3A_807 : memref<1x26xi32, #tpu.memory_space<vmem>> -> memref<26xi32, #tpu.memory_space<vmem>>
      %dma_start3A_809 = arith.constant 0 : i32
      %dma_start3A_810 = arith.constant 0 : i32
      %dma_start3A_811 = tpu.memref_slice %arg3[%dma_start3A_809, %dma_start3A_810] : memref<4000000x32xf32, #tpu.memory_space<hbm>> -> memref<4000000x32xf32, #tpu.memory_space<hbm>>
      tpu.enqueue_indirect_dma source(%dma_start3A_811 : memref<4000000x32xf32, #tpu.memory_space<hbm>>) target(%dma_start3A_805 : memref<26x32xf32, #tpu.memory_space<vmem>>) offsets(%dma_start3A_808 : memref<26xi32, #tpu.memory_space<vmem>>) semaphore(%arg8 : memref<!tpu.dma_semaphore, #tpu.memory_space<semaphore_mem>>)
      %mul3A_812 = arith.constant 8 : i32
      %mul3A_813 = arith.muli %add3A_664, %mul3A_812 : i32
      %add3A_814 = arith.constant 7 : i32
      %add3A_815 = arith.addi %mul3A_813, %add3A_814 : i32
      %dma_start3A_816 = arith.constant 1 : i32
      %dma_start3A_817 = arith.constant 7 : i32
      %dma_start3A_818 = arith.constant 0 : i32
      %dma_start3A_819 = arith.constant 0 : i32
      %dma_start3A_820 = arith.constant 0 : i32
      %dma_start3A_821 = tpu.memref_slice %arg6[%dma_start3A_816, %dma_start3A_818, %dma_start3A_819, %dma_start3A_820] : memref<2x8x26x32xf32, #tpu.memory_space<vmem>> -> memref<1x8x26x32xf32, #tpu.memory_space<vmem>>
      %dma_start3A_822 = tpu.memref_squeeze %dma_start3A_821 : memref<1x8x26x32xf32, #tpu.memory_space<vmem>> -> memref<8x26x32xf32, #tpu.memory_space<vmem>>
      %dma_start3A_823 = arith.constant 0 : i32
      %dma_start3A_824 = arith.constant 0 : i32
      %dma_start3A_825 = tpu.memref_slice %dma_start3A_822[%dma_start3A_817, %dma_start3A_823, %dma_start3A_824] : memref<8x26x32xf32, #tpu.memory_space<vmem>> -> memref<1x26x32xf32, #tpu.memory_space<vmem>>
      %dma_start3A_826 = tpu.memref_squeeze %dma_start3A_825 : memref<1x26x32xf32, #tpu.memory_space<vmem>> -> memref<26x32xf32, #tpu.memory_space<vmem>>
      %dma_start3A_827 = arith.constant 0 : i32
      %dma_start3A_828 = tpu.memref_slice %arg5[%add3A_815, %dma_start3A_827] : memref<512x26xi32, #tpu.memory_space<vmem>> -> memref<1x26xi32, #tpu.memory_space<vmem>>
      %dma_start3A_829 = tpu.memref_squeeze %dma_start3A_828 : memref<1x26xi32, #tpu.memory_space<vmem>> -> memref<26xi32, #tpu.memory_space<vmem>>
      %dma_start3A_830 = arith.constant 0 : i32
      %dma_start3A_831 = arith.constant 0 : i32
      %dma_start3A_832 = tpu.memref_slice %arg3[%dma_start3A_830, %dma_start3A_831] : memref<4000000x32xf32, #tpu.memory_space<hbm>> -> memref<4000000x32xf32, #tpu.memory_space<hbm>>
      tpu.enqueue_indirect_dma source(%dma_start3A_832 : memref<4000000x32xf32, #tpu.memory_space<hbm>>) target(%dma_start3A_826 : memref<26x32xf32, #tpu.memory_space<vmem>>) offsets(%dma_start3A_829 : memref<26xi32, #tpu.memory_space<vmem>>) semaphore(%arg8 : memref<!tpu.dma_semaphore, #tpu.memory_space<semaphore_mem>>)
      %dma_wait3A_833 = arith.constant 0 : i32
      %dma_wait3A_834 = arith.constant 0 : i32
      %dma_wait3A_835 = arith.constant 0 : i32
      %dma_wait3A_836 = arith.constant 0 : i32
      %dma_wait3A_837 = tpu.memref_slice %arg6[%dma_wait3A_833, %dma_wait3A_834, %dma_wait3A_835, %dma_wait3A_836] : memref<2x8x26x32xf32, #tpu.memory_space<vmem>> -> memref<1x8x26x32xf32, #tpu.memory_space<vmem>>
      %dma_wait3A_838 = tpu.memref_squeeze %dma_wait3A_837 : memref<1x8x26x32xf32, #tpu.memory_space<vmem>> -> memref<8x26x32xf32, #tpu.memory_space<vmem>>
      %dma_wait3A_839 = arith.constant 0 : i32
      %dma_wait3A_840 = arith.constant 0 : i32
      %dma_wait3A_841 = arith.constant 0 : i32
      %dma_wait3A_842 = tpu.memref_slice %arg4[%dma_wait3A_839, %dma_wait3A_840, %dma_wait3A_841] : memref<16384x32x128xf32, #tpu.memory_space<hbm>> -> memref<8x26x32xf32, #tpu.memory_space<hbm>>
      %dma_wait3A_843 = arith.constant 0 : i32
      %dma_wait3A_844 = arith.constant 0 : i32
      %dma_wait3A_845 = arith.constant 0 : i32
      %dma_wait3A_846 = tpu.memref_slice %arg6[%dma_wait3A_833, %dma_wait3A_843, %dma_wait3A_844, %dma_wait3A_845] : memref<2x8x26x32xf32, #tpu.memory_space<vmem>> -> memref<1x8x26x32xf32, #tpu.memory_space<vmem>>
      %dma_wait3A_847 = tpu.memref_squeeze %dma_wait3A_846 : memref<1x8x26x32xf32, #tpu.memory_space<vmem>> -> memref<8x26x32xf32, #tpu.memory_space<vmem>>
      %dma_wait3A_848 = arith.constant 0 : i32
      %dma_wait3A_849 = arith.constant 0 : i32
      %dma_wait3A_850 = arith.constant 0 : i32
      %dma_wait3A_851 = tpu.memref_slice %arg4[%dma_wait3A_848, %dma_wait3A_849, %dma_wait3A_850] : memref<16384x32x128xf32, #tpu.memory_space<hbm>> -> memref<8x26x32xf32, #tpu.memory_space<hbm>>
      tpu.wait_dma2 semaphore(%arg7 : memref<!tpu.dma_semaphore, #tpu.memory_space<semaphore_mem>>) src(%dma_wait3A_851 : memref<8x26x32xf32, #tpu.memory_space<hbm>>) dst(%dma_wait3A_847 : memref<8x26x32xf32, #tpu.memory_space<vmem>>)
      %mul3A_852 = arith.constant 8 : i32
      %mul3A_853 = arith.muli %add3A_643, %mul3A_852 : i32
      %add3A_854 = arith.addi %mul3A_4, %mul3A_853 : i32
      %dma_start3A_855 = arith.constant 0 : i32
      %dma_start3A_856 = arith.constant 0 : i32
      %dma_start3A_857 = arith.constant 0 : i32
      %dma_start3A_858 = arith.constant 0 : i32
      %dma_start3A_859 = tpu.memref_slice %arg6[%dma_start3A_855, %dma_start3A_856, %dma_start3A_857, %dma_start3A_858] : memref<2x8x26x32xf32, #tpu.memory_space<vmem>> -> memref<1x8x26x32xf32, #tpu.memory_space<vmem>>
      %dma_start3A_860 = tpu.memref_squeeze %dma_start3A_859 : memref<1x8x26x32xf32, #tpu.memory_space<vmem>> -> memref<8x26x32xf32, #tpu.memory_space<vmem>>
      %dma_start3A_861 = arith.constant 0 : i32
      %dma_start3A_862 = arith.constant 0 : i32
      %dma_start3A_863 = tpu.memref_slice %arg4[%add3A_854, %dma_start3A_861, %dma_start3A_862] : memref<16384x32x128xf32, #tpu.memory_space<hbm>> -> memref<8x26x32xf32, #tpu.memory_space<hbm>>
      %dma_start3A_864 = arith.constant 0 : i32
      %dma_start3A_865 = arith.constant 0 : i32
      %dma_start3A_866 = tpu.memref_slice %arg4[%add3A_854, %dma_start3A_864, %dma_start3A_865] : memref<16384x32x128xf32, #tpu.memory_space<hbm>> -> memref<8x26x32xf32, #tpu.memory_space<hbm>>
      %dma_start3A_867 = arith.constant 0 : i32
      %dma_start3A_868 = arith.constant 0 : i32
      %dma_start3A_869 = arith.constant 0 : i32
      %dma_start3A_870 = tpu.memref_slice %arg6[%dma_start3A_855, %dma_start3A_867, %dma_start3A_868, %dma_start3A_869] : memref<2x8x26x32xf32, #tpu.memory_space<vmem>> -> memref<1x8x26x32xf32, #tpu.memory_space<vmem>>
      %dma_start3A_871 = tpu.memref_squeeze %dma_start3A_870 : memref<1x8x26x32xf32, #tpu.memory_space<vmem>> -> memref<8x26x32xf32, #tpu.memory_space<vmem>>
      tpu.enqueue_dma source(%dma_start3A_871 : memref<8x26x32xf32, #tpu.memory_space<vmem>>) target(%dma_start3A_866 : memref<8x26x32xf32, #tpu.memory_space<hbm>>) target_semaphore(%arg9 : memref<!tpu.dma_semaphore, #tpu.memory_space<semaphore_mem>>)
    }
    %scan3A_332 = arith.constant 31 : i32
    %dma_wait3A_333 = arith.constant 1 : i32
    %dma_wait3A_334 = arith.constant 0 : i32
    %dma_wait3A_335 = arith.constant 0 : i32
    %dma_wait3A_336 = arith.constant 0 : i32
    %dma_wait3A_337 = tpu.memref_slice %arg6[%dma_wait3A_333, %dma_wait3A_334, %dma_wait3A_335, %dma_wait3A_336] : memref<2x8x26x32xf32, #tpu.memory_space<vmem>> -> memref<1x8x26x32xf32, #tpu.memory_space<vmem>>
    %dma_wait3A_338 = tpu.memref_squeeze %dma_wait3A_337 : memref<1x8x26x32xf32, #tpu.memory_space<vmem>> -> memref<8x26x32xf32, #tpu.memory_space<vmem>>
    %dma_wait3A_339 = arith.constant 0 : i32
    %dma_wait3A_340 = arith.constant 0 : i32
    %dma_wait3A_341 = arith.constant 0 : i32
    %dma_wait3A_342 = tpu.memref_slice %arg4[%dma_wait3A_339, %dma_wait3A_340, %dma_wait3A_341] : memref<16384x32x128xf32, #tpu.memory_space<hbm>> -> memref<8x26x32xf32, #tpu.memory_space<hbm>>
    %dma_wait3A_343 = arith.constant 0 : i32
    %dma_wait3A_344 = arith.constant 0 : i32
    %dma_wait3A_345 = arith.constant 0 : i32
    %dma_wait3A_346 = tpu.memref_slice %arg6[%dma_wait3A_333, %dma_wait3A_343, %dma_wait3A_344, %dma_wait3A_345] : memref<2x8x26x32xf32, #tpu.memory_space<vmem>> -> memref<1x8x26x32xf32, #tpu.memory_space<vmem>>
    %dma_wait3A_347 = tpu.memref_squeeze %dma_wait3A_346 : memref<1x8x26x32xf32, #tpu.memory_space<vmem>> -> memref<8x26x32xf32, #tpu.memory_space<vmem>>
    %dma_wait3A_348 = arith.constant 0 : i32
    %dma_wait3A_349 = arith.constant 0 : i32
    %dma_wait3A_350 = arith.constant 0 : i32
    %dma_wait3A_351 = tpu.memref_slice %arg4[%dma_wait3A_348, %dma_wait3A_349, %dma_wait3A_350] : memref<16384x32x128xf32, #tpu.memory_space<hbm>> -> memref<8x26x32xf32, #tpu.memory_space<hbm>>
    tpu.wait_dma2 semaphore(%arg8 : memref<!tpu.dma_semaphore, #tpu.memory_space<semaphore_mem>>) src(%dma_wait3A_351 : memref<8x26x32xf32, #tpu.memory_space<hbm>>) dst(%dma_wait3A_347 : memref<8x26x32xf32, #tpu.memory_space<vmem>>)
    %add3A_352 = arith.constant 504 : i32
    %add3A_353 = arith.addi %mul3A_4, %add3A_352 : i32
    %dma_start3A_354 = arith.constant 1 : i32
    %dma_start3A_355 = arith.constant 0 : i32
    %dma_start3A_356 = arith.constant 0 : i32
    %dma_start3A_357 = arith.constant 0 : i32
    %dma_start3A_358 = tpu.memref_slice %arg6[%dma_start3A_354, %dma_start3A_355, %dma_start3A_356, %dma_start3A_357] : memref<2x8x26x32xf32, #tpu.memory_space<vmem>> -> memref<1x8x26x32xf32, #tpu.memory_space<vmem>>
    %dma_start3A_359 = tpu.memref_squeeze %dma_start3A_358 : memref<1x8x26x32xf32, #tpu.memory_space<vmem>> -> memref<8x26x32xf32, #tpu.memory_space<vmem>>
    %dma_start3A_360 = arith.constant 0 : i32
    %dma_start3A_361 = arith.constant 0 : i32
    %dma_start3A_362 = tpu.memref_slice %arg4[%add3A_353, %dma_start3A_360, %dma_start3A_361] : memref<16384x32x128xf32, #tpu.memory_space<hbm>> -> memref<8x26x32xf32, #tpu.memory_space<hbm>>
    %dma_start3A_363 = arith.constant 0 : i32
    %dma_start3A_364 = arith.constant 0 : i32
    %dma_start3A_365 = tpu.memref_slice %arg4[%add3A_353, %dma_start3A_363, %dma_start3A_364] : memref<16384x32x128xf32, #tpu.memory_space<hbm>> -> memref<8x26x32xf32, #tpu.memory_space<hbm>>
    %dma_start3A_366 = arith.constant 0 : i32
    %dma_start3A_367 = arith.constant 0 : i32
    %dma_start3A_368 = arith.constant 0 : i32
    %dma_start3A_369 = tpu.memref_slice %arg6[%dma_start3A_354, %dma_start3A_366, %dma_start3A_367, %dma_start3A_368] : memref<2x8x26x32xf32, #tpu.memory_space<vmem>> -> memref<1x8x26x32xf32, #tpu.memory_space<vmem>>
    %dma_start3A_370 = tpu.memref_squeeze %dma_start3A_369 : memref<1x8x26x32xf32, #tpu.memory_space<vmem>> -> memref<8x26x32xf32, #tpu.memory_space<vmem>>
    tpu.enqueue_dma source(%dma_start3A_370 : memref<8x26x32xf32, #tpu.memory_space<vmem>>) target(%dma_start3A_365 : memref<8x26x32xf32, #tpu.memory_space<hbm>>) target_semaphore(%arg10 : memref<!tpu.dma_semaphore, #tpu.memory_space<semaphore_mem>>)
    %dma_wait3A_371 = arith.constant 0 : i32
    %dma_wait3A_372 = arith.constant 0 : i32
    %dma_wait3A_373 = arith.constant 0 : i32
    %dma_wait3A_374 = arith.constant 0 : i32
    %dma_wait3A_375 = tpu.memref_slice %arg6[%dma_wait3A_371, %dma_wait3A_372, %dma_wait3A_373, %dma_wait3A_374] : memref<2x8x26x32xf32, #tpu.memory_space<vmem>> -> memref<1x8x26x32xf32, #tpu.memory_space<vmem>>
    %dma_wait3A_376 = tpu.memref_squeeze %dma_wait3A_375 : memref<1x8x26x32xf32, #tpu.memory_space<vmem>> -> memref<8x26x32xf32, #tpu.memory_space<vmem>>
    %dma_wait3A_377 = arith.constant 0 : i32
    %dma_wait3A_378 = arith.constant 0 : i32
    %dma_wait3A_379 = arith.constant 0 : i32
    %dma_wait3A_380 = tpu.memref_slice %arg4[%dma_wait3A_377, %dma_wait3A_378, %dma_wait3A_379] : memref<16384x32x128xf32, #tpu.memory_space<hbm>> -> memref<8x26x32xf32, #tpu.memory_space<hbm>>
    %dma_wait3A_381 = arith.constant 0 : i32
    %dma_wait3A_382 = arith.constant 0 : i32
    %dma_wait3A_383 = arith.constant 0 : i32
    %dma_wait3A_384 = tpu.memref_slice %arg4[%dma_wait3A_381, %dma_wait3A_382, %dma_wait3A_383] : memref<16384x32x128xf32, #tpu.memory_space<hbm>> -> memref<8x26x32xf32, #tpu.memory_space<hbm>>
    %dma_wait3A_385 = arith.constant 0 : i32
    %dma_wait3A_386 = arith.constant 0 : i32
    %dma_wait3A_387 = arith.constant 0 : i32
    %dma_wait3A_388 = tpu.memref_slice %arg6[%dma_wait3A_371, %dma_wait3A_385, %dma_wait3A_386, %dma_wait3A_387] : memref<2x8x26x32xf32, #tpu.memory_space<vmem>> -> memref<1x8x26x32xf32, #tpu.memory_space<vmem>>
    %dma_wait3A_389 = tpu.memref_squeeze %dma_wait3A_388 : memref<1x8x26x32xf32, #tpu.memory_space<vmem>> -> memref<8x26x32xf32, #tpu.memory_space<vmem>>
    tpu.wait_dma2 semaphore(%arg9 : memref<!tpu.dma_semaphore, #tpu.memory_space<semaphore_mem>>) src(%dma_wait3A_389 : memref<8x26x32xf32, #tpu.memory_space<vmem>>) dst(%dma_wait3A_384 : memref<8x26x32xf32, #tpu.memory_space<hbm>>)
    %dma_wait3A_390 = arith.constant 1 : i32
    %dma_wait3A_391 = arith.constant 0 : i32
    %dma_wait3A_392 = arith.constant 0 : i32
    %dma_wait3A_393 = arith.constant 0 : i32
    %dma_wait3A_394 = tpu.memref_slice %arg6[%dma_wait3A_390, %dma_wait3A_391, %dma_wait3A_392, %dma_wait3A_393] : memref<2x8x26x32xf32, #tpu.memory_space<vmem>> -> memref<1x8x26x32xf32, #tpu.memory_space<vmem>>
    %dma_wait3A_395 = tpu.memref_squeeze %dma_wait3A_394 : memref<1x8x26x32xf32, #tpu.memory_space<vmem>> -> memref<8x26x32xf32, #tpu.memory_space<vmem>>
    %dma_wait3A_396 = arith.constant 0 : i32
    %dma_wait3A_397 = arith.constant 0 : i32
    %dma_wait3A_398 = arith.constant 0 : i32
    %dma_wait3A_399 = tpu.memref_slice %arg4[%dma_wait3A_396, %dma_wait3A_397, %dma_wait3A_398] : memref<16384x32x128xf32, #tpu.memory_space<hbm>> -> memref<8x26x32xf32, #tpu.memory_space<hbm>>
    %dma_wait3A_400 = arith.constant 0 : i32
    %dma_wait3A_401 = arith.constant 0 : i32
    %dma_wait3A_402 = arith.constant 0 : i32
    %dma_wait3A_403 = tpu.memref_slice %arg4[%dma_wait3A_400, %dma_wait3A_401, %dma_wait3A_402] : memref<16384x32x128xf32, #tpu.memory_space<hbm>> -> memref<8x26x32xf32, #tpu.memory_space<hbm>>
    %dma_wait3A_404 = arith.constant 0 : i32
    %dma_wait3A_405 = arith.constant 0 : i32
    %dma_wait3A_406 = arith.constant 0 : i32
    %dma_wait3A_407 = tpu.memref_slice %arg6[%dma_wait3A_390, %dma_wait3A_404, %dma_wait3A_405, %dma_wait3A_406] : memref<2x8x26x32xf32, #tpu.memory_space<vmem>> -> memref<1x8x26x32xf32, #tpu.memory_space<vmem>>
    %dma_wait3A_408 = tpu.memref_squeeze %dma_wait3A_407 : memref<1x8x26x32xf32, #tpu.memory_space<vmem>> -> memref<8x26x32xf32, #tpu.memory_space<vmem>>
    tpu.wait_dma2 semaphore(%arg10 : memref<!tpu.dma_semaphore, #tpu.memory_space<semaphore_mem>>) src(%dma_wait3A_408 : memref<8x26x32xf32, #tpu.memory_space<vmem>>) dst(%dma_wait3A_403 : memref<8x26x32xf32, #tpu.memory_space<hbm>>)
    return
  }
}

</mosaic_0001>

<sc_bundles>
// kernel: kernel.3.cloned.1.call-start
scs
__scs_entry_jumppad:
0x0: {  	(pc) =	sbr.rel $0x88, $3  }
0x1: {  	(tag) =	ssettag $0x0;
	lr =	simm.s32 $0x1  }
0x2: {  	[smem:$0x3F9F] =	sst lr;
	_ =	strace $0xD0000000  }
0x3: {  	_ = 	snop  }
0x4: {  	_ = 	snop  }
0x5: {  	_ = 	snop  }
0x6: {  	_ = 	snop  }
0x7: {  	_ = 	snop  }
__scs_overlays_trampoline_lowered:
0x8: {  	[smem:$0x3FAE] =	sst s0  }
0x9: {  	[smem:$0x3FAF] =	sst s1  }
0xa: {  	[smem:$0x3FB0] =	sst s2  }
0xb: {  	[smem:$0x3FB1] =	sst s3  }
0xc: {  	[smem:$0x3FB2] =	sst s4  }
0xd: {  	[smem:$0x3FB3] =	sst s5  }
0xe: {  	[smem:$0x3FB4] =	sst s6  }
0xf: {  	[smem:$0x3FB5] =	sst s7  }
0x10: {  	[smem:$0x3FB6] =	sst s8  }
0x11: {  	[smem:$0x3FB7] =	sst s9;
	s0 =	simm.s32 @!p0 $0x0  }
0x12: {  	s1 =	sld [smem:$0x3F9D];
	s0 =	simm.s32 @p0 $0x1  }
0x13: {  	[smem:$0x3FB8] =	sst s0;
	s0 =	simm.s32 @!p1 $0x0  }
0x14: {  	s2 =	sld [smem:$0x3F9C];
	s0 =	simm.s32 @p1 $0x1  }
0x15: {  	[smem:$0x3FB9] =	sst s0;
	s0 =	simm.s32 @!p2 $0x0  }
0x16: {  	s3 =	sld [smem:$0x3FDB];
	s0 =	simm.s32 @p2 $0x1  }
0x17: {  	s4 =	simm.s32 $0x1BF5;
	[smem:$0x3FBB] =	sst s0  }
0x18: {  	s0 =	sld [smem:$0x3F9E];
	_ =	swait.ge [sflag:s4], $0x0  }
0x19: {  	s7 =	sld [smem:$0x3F9F]  }
0x1a: {  	s8 =	sadd.s32 $0xFFFFE003, lr  }
0x1b: {  	s9 =	sadd.s32 $0xFFFFFEF7, lr;
	s5 =	simm.s32 $0xFFFFFFFF;
	p2 =	slt.u32 s8, $0xFFFFF086  }
0x1c: {  	p1 =	slt.u32 s9, $0xF7A;
	s5 =	simm.s32 @!p2 $0x0  }
0x1d: {  	s5 =	simm.s32 @p1 $0x1;
	p0 =	seq.s32 s7, s2  }
0x1e: {  	s7 =	smul.u32 @!p0 $0xF7A, s2;
	p2 =	seq.s32 @!p0 s5, $0x0  }
0x1f: {  	s9 =	smul.u32 $0xF7A, s1;
	s8 =	simm.s32 @!p0 $0x1BF5;
	p2 =	por !p2, p0  }
0x20: {  	[sflag:s8] =	ssyncset.s32 @!p0 $0xFFFFF086;
	s6 =	sadd.s32 @!p0 s3, s7;
	s7 =	simm.s32 @!p0 $0x108  }
0x21: {  	s3 =	sadd.s32 s3, s9;
	s6 =	sadd.s32 @!p0 $0x88, s6;
	s7 =	simm.s32 @p2 $0x1082  }
0x22: {  	[simem:s7], [sflag:s8] =	dma.local @!p0 [hbm:s6], $0xF7A  }
0x23: {  	s9 =	sor.u32 $0xD0000000, s2;
	s6 =	simm.s32 $0x108;
	_ =	swait.ge @!p0 [sflag:s8], $0x0  }
0x24: {  	s3 =	sadd.s32 $0x88, s3;
	s6 =	simm.s32 @!p1 $0x1082;
	[sflag:s4] =	ssyncset.s32 $0xFFFFF086  }
0x25: {  	[simem:s6], [sflag:s4] =	dma.local [hbm:s3], $0xF7A  }
0x26: {  	[smem:$0x3F9F] =	sst s1;
	(tag) =	ssettag s2;
	_ =	strace s9  }
0x27: {  	s1 =	sld [smem:$0x3FAF]  }
0x28: {  	s2 =	sld [smem:$0x3FB0]  }
0x29: {  	s4 =	sld [smem:$0x3FB2]  }
0x2a: {  	p0 =	seq.s32 s5, $0x0;
	s5 =	sld [smem:$0x3FB3]  }
0x2b: {  	s6 =	sld [smem:$0x3FB4]  }
0x2c: {  	s7 =	sld [smem:$0x3FB5]  }
0x2d: {  	s3 =	simm.s32 $0x108;
	s8 =	sld [smem:$0x3FB6]  }
0x2e: {  	s3 =	simm.s32 @!p0 $0x1082;
	s9 =	sld [smem:$0x3FB7]  }
0x2f: {  	lr =	sadd.s32 s0, s3;
	s0 =	sld [smem:$0x3FAE]  }
0x30: {  	s3 =	sld [smem:$0x3FB1]  }
0x31: {  	[smem:$0x3FBA] =	sst s10  }
0x32: {  	s10 =	sld [smem:$0x3FB8];
	_ =	sdelay $0x3  }
0x33: {  	p0 =	seq.s32 s10, $0x1;
	s10 =	sld [smem:$0x3FBA];
	_ =	sdelay $0x3  }
0x34: {  	[smem:$0x3FBA] =	sst s10  }
0x35: {  	s10 =	sld [smem:$0x3FB9];
	_ =	sdelay $0x3  }
0x36: {  	p1 =	seq.s32 s10, $0x1;
	s10 =	sld [smem:$0x3FBA];
	_ =	sdelay $0x3  }
0x37: {  	[smem:$0x3FBA] =	sst s10  }
0x38: {  	s10 =	sld [smem:$0x3FBB]  }
0x39: {  	_ = 	snop;
	(pc) =	sbr.ind lr, $3  }
0x3a: {  	_ = 	snop  }
0x3b: {  	_ = 	snop  }
0x3c: {  	p2 =	seq.s32 s10, $0x1;
	s10 =	sld [smem:$0x3FBA]  }
0x3d: {  	_ =	shalt  }
0x3e: {  	_ =	shalt  }
0x3f: {  	_ =	shalt  }
0x40: {  	_ =	shalt  }
0x41: {  	_ =	shalt  }
0x42: {  	_ =	shalt  }
0x43: {  	_ =	shalt  }
0x44: {  	_ =	shalt  }
0x45: {  	_ =	shalt  }
0x46: {  	_ =	shalt  }
0x47: {  	_ =	shalt  }
0x48: {  	_ =	shalt  }
0x49: {  	_ =	shalt  }
0x4a: {  	_ =	shalt  }
0x4b: {  	_ =	shalt  }
0x4c: {  	_ =	shalt  }
0x4d: {  	_ =	shalt  }
0x4e: {  	_ =	shalt  }
0x4f: {  	_ =	shalt  }
0x50: {  	_ =	shalt  }
0x51: {  	_ =	shalt  }
0x52: {  	_ =	shalt  }
0x53: {  	_ =	shalt  }
0x54: {  	_ =	shalt  }
0x55: {  	_ =	shalt  }
0x56: {  	_ =	shalt  }
0x57: {  	_ =	shalt  }
0x58: {  	_ =	shalt  }
0x59: {  	_ =	shalt  }
0x5a: {  	_ =	shalt  }
0x5b: {  	_ =	shalt  }
0x5c: {  	_ =	shalt  }
0x5d: {  	_ =	shalt  }
0x5e: {  	_ =	shalt  }
0x5f: {  	_ =	shalt  }
0x60: {  	_ =	shalt  }
0x61: {  	_ =	shalt  }
0x62: {  	_ =	shalt  }
0x63: {  	_ =	shalt  }
0x64: {  	_ =	shalt  }
0x65: {  	_ =	shalt  }
0x66: {  	_ =	shalt  }
0x67: {  	_ =	shalt  }
0x68: {  	_ =	shalt  }
0x69: {  	_ =	shalt  }
0x6a: {  	_ =	shalt  }
0x6b: {  	_ =	shalt  }
0x6c: {  	_ =	shalt  }
0x6d: {  	_ =	shalt  }
0x6e: {  	_ =	shalt  }
0x6f: {  	_ =	shalt  }
0x70: {  	_ =	shalt  }
0x71: {  	_ =	shalt  }
0x72: {  	_ =	shalt  }
0x73: {  	_ =	shalt  }
0x74: {  	_ =	shalt  }
0x75: {  	_ =	shalt  }
0x76: {  	_ =	shalt  }
0x77: {  	_ =	shalt  }
0x78: {  	_ =	shalt  }
0x79: {  	_ =	shalt  }
0x7a: {  	_ =	shalt  }
0x7b: {  	_ =	shalt  }
0x7c: {  	_ =	shalt  }
0x7d: {  	_ =	shalt  }
0x7e: {  	_ =	shalt  }
0x7f: {  	_ =	shalt  }
0x80: {  	_ =	shalt  }
0x81: {  	_ =	shalt  }
0x82: {  	_ =	shalt  }
0x83: {  	_ =	shalt  }
0x84: {  	_ =	shalt  }
0x85: {  	_ =	shalt  }
0x86: {  	_ =	shalt  }
0x87: {  	_ =	shalt  }
.Lfunc_end0:
.L_simem_size_0:
called_computation.2_lowered:
.L_overlay_start_0:
0x88: {  	s2 =	sld [smem:$0x3FD9]  }
0x89: {  	s3 =	sld [smem:$0x3FFE];
	_ =	sdelay $0x1  }
0x8a: {  	s1 =	srdreg.scid  }
0x8b: {  	s0 =	sand.u32 $0x1, s1  }
0x8c: {  	s17 =	sshll.u32 s0, $0xA;
	s2 =	sadd.s32 s3, s2  }
0x8d: {  	s2 =	sadd.s32 s2, s17  }
0x8e: {  	[smem:$0x3FC6] =	sst s2  }
0x8f: {  	_ = 	snop  }
0x90: {  	s2 =	sld [smem:$0x3FD0];
	(tm) =	ssettm $0x1  }
0x91: {  	s18 =	sld [smem:$0x3FFB];
	_ =	sdelay $0x3  }
0x92: {  	_ =	strace s18  }
0x93: {  	s3 =	sld [smem:$0x3FFC];
	_ =	sdelay $0x3  }
0x94: {  	_ =	strace s3  }
0x95: {  	s3 =	sld [smem:$0x3FFD];
	_ =	sdelay $0x3  }
0x96: {  	_ =	strace s3  }
0x97: {  	_ =	strace $0x8FFFFFFF  }
0x98: {  	s19 =	sld [smem:$0x3FDB];
	_ =	sdelay $0x1  }
0x99: {  	s4 =	simm.s32 $_scs_section_size  }
0x9a: {  	s5 =	simm.s32 $_size__tile_overlayer_lowered;
	s6 =	simm.s32 $_tile_overlayer_lowered  }
0x9b: {  	s22 =	simm.s32 $0x1BFF;
	s21 =	sshll.u32 s6, $0x1;
	s3 =	sadd.s32 s4, s19  }
0x9c: {  	s7 =	simm.s32 $0x0;
	s20 =	sshll.u32 s5, $0x1;
	s5 =	sadd.s32 s21, s3  }
0x9d: {  	[timem:s7], [sflag:s22] =	dma.local [hbm:s5], s20  }
0x9e: {  	_ =	swait.ge [sflag:s22], s20  }
0x9f: {  	s4 =	ssub.s32 $0x0, s20;
	[sflag:s22] =	ssyncset.done $0x0  }
0xa0: {  	[sflag:s22] =	ssyncadd.s32 s4;
	_ =	sdelay $0x1  }
0xa1: {  	s23 =	simm.s32 $0x1B8B  }
0xa2: {  	_ =	swait.ge [sflag:s23], $0x1  }
0xa3: {  	[sflag:s23] =	ssyncset.done $0x0  }
0xa4: {  	s25 =	simm.s32 $0x1B8E;
	s24 =	sld [smem:$0x3FFE];
	[sflag:s23] =	ssyncadd.s32 $0xFFFFFFFF  }
0xa5: {  	s26 =	simm.s32 $execute0_lowered;
	[smem:$0x3FD2] =	sst s25  }
0xa6: {  	s5 =	sshll.u32 s26, $0x1;
	_ =	strace $0x80000049;
	[dreg:$0x1] =	wrdreg $0xFFFFFFFF  }
0xa7: {  	s28 =	simm.s32 $_size_execute0_lowered;
	s3 =	sadd.s32 s3, s5;
	[dreg:$0x0] =	wrdreg $0x0  }
0xa8: {  	s5 =	sshll.u32 s28, $0x1;
	[dreg:$0x2] =	wrdreg s3  }
0xa9: {  	[dreg:$0x3] =	wrdreg s5  }
0xaa: {  	[dreg:$0x4] =	wrdreg $0xC0  }
0xab: {  	_ =	task [dreg:s7], $0x5FFFF  }
0xac: {  	[dreg:$0x1] =	wrdreg $0xFFFFFFFF  }
0xad: {  	[dreg:$0x0] =	wrdreg $0x60  }
0xae: {  	[dreg:$0x2] =	wrdreg s2  }
0xaf: {  	[dreg:$0x3] =	wrdreg s24  }
0xb0: {  	[dreg:$0x4] =	wrdreg $0x9  }
0xb1: {  	_ =	task.clear_ibuf [dreg:s7], $0x5FFFF;
	_ =	strace $0x90000049  }
0xb2: {  	s29 =	simm.s32 $0x9;
	_ =	strace $0x8000004B  }
0xb3: {  	_ =	swait.ge [sflag:s29], $0x1  }
0xb4: {  	[sflag:s29] =	ssyncadd.s32 $0xFFFFFFFF  }
0xb5: {  	_ =	strace $0x9000004B  }
0xb6: {  	_ =	sfence  }
0xb7: {  	s30 =	sld [smem:$0x0];
	_ =	sdelay $0x2  }
0xb8: {  	s31 =	sshll.u32 s1, $0xD;
	s1 =	sshrl.u32 s1, $0x2  }
0xb9: {  	s3 =	sand.u32 $0x4000, s31;
	s1 =	sadd.s32 s1, s30  }
0xba: {  	s0 =	sor.u32 s3, s0;
	s1 =	sshll.u32 s1, $0x11  }
0xbb: {  	s0 =	sor.u32 s1, s0  }
0xbc: {  	s0 =	sadd.s32 $0x8F2B, s0  }
0xbd: {  	[sflag:s0] =	ssyncadd.remote.s32 $0x1  }
0xbe: {  	_ =	sfence.sel $0xFFFF  }
0xbf: {  	[dreg:$0x0] =	wrdreg $0xFFFFFFFF;
	(pc) =	sbr.abs _section_cstart, $3  }
0xc0: {  	[dreg:$0x1] =	wrdreg $0xFFFFFFFF  }
0xc1: {  	_ =	task.clear_ibuf [dreg:s7], $0x2FFFF;
	_ =	strace $0x9FFFFFFF  }
0xc2: {  	(tm) =	ssettm $0x7FFFFFFF  }
0xc3: {  	_ =	shalt  }
tec
execute0_lowered:
.L_overlay_start_1:
0x0: {  	(tag) =	ssettag $0x1  }
0x1: {  	s0 =	rddreg [dreg:$0x0]  }
0x2: {  	s1 =	rddreg [dreg:$0x1]  }
0x3: {  	s2 =	simm.s32 $0x0;
	s21 =	srdreg.scid;
	s8 =	stileid.u32  }
0x4: {  	s10 =	simm.s32 $0x1A;
	s11 =	simm.s32 $0x4000;
	s12 =	simm.s32 $0x20  }
0x5: {  	s13 =	simm.s32 $0x4340;
	s15 =	simm.s32 $0x4680;
	s17 =	simm.s32 $0x49C0  }
0x6: {  	s18 =	simm.s32 $0x80;
	s19 =	simm.s32 $0x4D00;
	s28 =	simm.s32 $0x5A00  }
0x7: {  	s30 =	simm.s32 $0x5D40;
	s14 =	simm.s32 $0x63C0;
	s20 =	simm.s32 $0x6700  }
0x8: {  	s29 =	simm.s32 $0x6D80;
	s16 =	simm.s32 $0x1;
	s31 =	simm.s32 $0x4  }
0x9: {  	[smem:$0x7FF] =	sst s2;
	s2 =	sand.u32 $0x1, s21;
	s5 =	sshll.u32 s8, $0xA  }
0xa: {  	s3 =	sadd.s32 $0xF43200, s1;
	s1 =	sadd.s32 $0xE00, s1;
	s23 =	sshll.u32 s8, $0x13  }
0xb: {  	s21 =	simm.s32 $0x5040;
	_ =	strace $0x8000004A;
	s4 =	ssub.s32 $0x2, s2  }
0xc: {  	s6 =	sshll.u32 s2, $0x9;
	s24 =	sadd.s32 s23, s1;
	s25 =	sshll.u32 s2, $0x12  }
0xd: {  	s23 =	simm.s32 $0x5380;
	s7 =	sshrl.u32 s4, $0x1;
	s5 =	sor.u32 s6, s5  }
0xe: {  	s4 =	ssub.s32 s4, s7;
	s6 =	sshll.u32 s5, $0x2;
	s22 =	sshll.u32 s5, $0x9  }
0xf: {  	s0 =	sadd.s32 s0, s6;
	s5 =	sadd.s32 s1, s22;
	s26 =	smax.u32 s4, $0x1  }
0x10: {  	s1 =	simm.s32 $0x70C0;
	s22 =	simm.s32 $0x3;
	[dreg:$0x3] =	wrdreg s0  }
0x11: {  	s4 =	simm.s32 $0x0;
	s6 =	sadd.s32 $0x3F000, s5;
	[dreg:$0x4] =	wrdreg s26  }
0x12: {  	s0 =	sadd.s32 s25, s24;
	s25 =	simm.s32 $0x56C0;
	s24 =	simm.s32 $0x6A40  }
0x13: {  	s26 =	simm.s32 $0x2;
	s8 =	sadd.s32 $0x1000, s0;
	s0 =	simm.s32 $0x6080  }
.LBB2_1:
0x14: {  	[dreg:$0x5] =	wrdreg s4  }
0x15: {  	s2 =	simm.s32 $0x0;
	s7 =	rddreg [dreg:$0x3];
	s9 =	simm.s32 $0x5  }
0x16: {  	[tilespmem:s2], [sflag:$0x5] =	stream.linear.gather [hbm4b:s7+s2], $0x4000, $0x38;
	[tilespmem:$0x7400] =	vst v63  }
0x17: {  	_ =	swait.ge [sflag:s9], $0x4000  }
0x18: {  	[sflag:s9] =	ssyncset.done $0x0  }
0x19: {  	[sflag:s9] =	ssyncadd.s32 $0xFFFFC000  }
0x1a: {  	[tilespmem:s11], [sflag:$0x1] =	stream.indirect.gather [hbm4b:s3+s10], $0x20, s2, s10, $0xb8;
	[tilespmem:$0x7400] =	vst v63  }
0x1b: {  	_ = 	snop  }
0x1c: {  	[tilespmem:s13], [sflag:$0x1] =	stream.indirect.gather [hbm4b:s3+s10], $0x20, s12, s10, $0xb8;
	[tilespmem:$0x7400] =	vst v63  }
0x1d: {  	s7 =	simm.s32 $0x40  }
0x1e: {  	[tilespmem:s15], [sflag:$0x1] =	stream.indirect.gather [hbm4b:s3+s10], $0x20, s7, s10, $0xb8;
	[tilespmem:$0x7400] =	vst v63  }
0x1f: {  	s9 =	simm.s32 $0x60  }
0x20: {  	[tilespmem:s17], [sflag:$0x1] =	stream.indirect.gather [hbm4b:s3+s10], $0x20, s9, s10, $0xb8;
	[tilespmem:$0x7400] =	vst v63  }
0x21: {  	_ = 	snop  }
0x22: {  	[tilespmem:s19], [sflag:$0x1] =	stream.indirect.gather [hbm4b:s3+s10], $0x20, s18, s10, $0xb8;
	[tilespmem:$0x7400] =	vst v63  }
0x23: {  	s4 =	simm.s32 $0xA0  }
0x24: {  	[tilespmem:s21], [sflag:$0x1] =	stream.indirect.gather [hbm4b:s3+s10], $0x20, s4, s10, $0xb8;
	[tilespmem:$0x7400] =	vst v63  }
0x25: {  	s7 =	simm.s32 $0xC0  }
0x26: {  	[tilespmem:s23], [sflag:$0x1] =	stream.indirect.gather [hbm4b:s3+s10], $0x20, s7, s10, $0xb8;
	[tilespmem:$0x7400] =	vst v63  }
0x27: {  	s9 =	simm.s32 $0xE0  }
0x28: {  	[tilespmem:s25], [sflag:$0x1] =	stream.indirect.gather [hbm4b:s3+s10], $0x20, s9, s10, $0xb8;
	[tilespmem:$0x7400] =	vst v63  }
0x29: {  	s4 =	simm.s32 $0x100  }
0x2a: {  	[tilespmem:s28], [sflag:$0x2] =	stream.indirect.gather [hbm4b:s3+s10], $0x20, s4, s10, $0xb8;
	[tilespmem:$0x7400] =	vst v63  }
0x2b: {  	s7 =	simm.s32 $0x120  }
0x2c: {  	[tilespmem:s30], [sflag:$0x2] =	stream.indirect.gather [hbm4b:s3+s10], $0x20, s7, s10, $0xb8;
	[tilespmem:$0x7400] =	vst v63  }
0x2d: {  	s9 =	simm.s32 $0x140  }
0x2e: {  	[tilespmem:s0], [sflag:$0x2] =	stream.indirect.gather [hbm4b:s3+s10], $0x20, s9, s10, $0xb8;
	[tilespmem:$0x7400] =	vst v63  }
0x2f: {  	s4 =	simm.s32 $0x160  }
0x30: {  	[tilespmem:s14], [sflag:$0x2] =	stream.indirect.gather [hbm4b:s3+s10], $0x20, s4, s10, $0xb8;
	[tilespmem:$0x7400] =	vst v63  }
0x31: {  	s7 =	simm.s32 $0x180  }
0x32: {  	[tilespmem:s20], [sflag:$0x2] =	stream.indirect.gather [hbm4b:s3+s10], $0x20, s7, s10, $0xb8;
	[tilespmem:$0x7400] =	vst v63  }
0x33: {  	s9 =	simm.s32 $0x1A0  }
0x34: {  	[tilespmem:s24], [sflag:$0x2] =	stream.indirect.gather [hbm4b:s3+s10], $0x20, s9, s10, $0xb8;
	[tilespmem:$0x7400] =	vst v63  }
0x35: {  	s4 =	simm.s32 $0x1C0  }
0x36: {  	[tilespmem:s29], [sflag:$0x2] =	stream.indirect.gather [hbm4b:s3+s10], $0x20, s4, s10, $0xb8;
	[tilespmem:$0x7400] =	vst v63  }
0x37: {  	s7 =	simm.s32 $0x1E0  }
0x38: {  	[tilespmem:s1], [sflag:$0x2] =	stream.indirect.gather [hbm4b:s3+s10], $0x20, s7, s10, $0xb8;
	[tilespmem:$0x7400] =	vst v63  }
0x39: {  	_ =	swait.ge [sflag:s16], $0x1A00  }
0x3a: {  	[sflag:s16] =	ssyncset.done $0x0  }
0x3b: {  	[sflag:s16] =	ssyncadd.s32 $0xFFFFE600  }
0x3c: {  	[hbm4b:s5+s12] =	stream.strided.scatter [tilespmem:s11], [sflag:$0x3], $0x340, s18, s12, $0x38;
	[tilespmem:$0x7400] =	vst v63  }
0x3d: {  	s9 =	sadd.s32 $0x200, s5  }
0x3e: {  	[hbm4b:s9+s12] =	stream.strided.scatter [tilespmem:s13], [sflag:$0x3], $0x340, s18, s12, $0x38;
	[tilespmem:$0x7400] =	vst v63  }
0x3f: {  	s2 =	sadd.s32 $0x400, s5  }
0x40: {  	[hbm4b:s2+s12] =	stream.strided.scatter [tilespmem:s15], [sflag:$0x3], $0x340, s18, s12, $0x38;
	[tilespmem:$0x7400] =	vst v63  }
0x41: {  	s7 =	sadd.s32 $0x600, s5  }
0x42: {  	[hbm4b:s7+s12] =	stream.strided.scatter [tilespmem:s17], [sflag:$0x3], $0x340, s18, s12, $0x38;
	[tilespmem:$0x7400] =	vst v63  }
0x43: {  	s9 =	sadd.s32 $0x800, s5  }
0x44: {  	[hbm4b:s9+s12] =	stream.strided.scatter [tilespmem:s19], [sflag:$0x3], $0x340, s18, s12, $0x38;
	[tilespmem:$0x7400] =	vst v63  }
0x45: {  	s2 =	sadd.s32 $0xA00, s5  }
0x46: {  	[hbm4b:s2+s12] =	stream.strided.scatter [tilespmem:s21], [sflag:$0x3], $0x340, s18, s12, $0x38;
	[tilespmem:$0x7400] =	vst v63  }
0x47: {  	s7 =	sadd.s32 $0xC00, s5  }
0x48: {  	[hbm4b:s7+s12] =	stream.strided.scatter [tilespmem:s23], [sflag:$0x3], $0x340, s18, s12, $0x38;
	[tilespmem:$0x7400] =	vst v63  }
0x49: {  	s9 =	sadd.s32 $0xE00, s5  }
0x4a: {  	[hbm4b:s9+s12] =	stream.strided.scatter [tilespmem:s25], [sflag:$0x3], $0x340, s18, s12, $0x38;
	[tilespmem:$0x7400] =	vst v63  }
0x4b: {  	_ =	swait.ge [sflag:s22], $0x1A00  }
0x4c: {  	[sflag:s22] =	ssyncset.done $0x0  }
0x4d: {  	s2 =	simm.s32 $0x200;
	[sflag:s22] =	ssyncadd.s32 $0xFFFFE600  }
0x4e: {  	[tilespmem:s11], [sflag:$0x1] =	stream.indirect.gather [hbm4b:s3+s10], $0x20, s2, s10, $0xb8;
	[tilespmem:$0x7400] =	vst v63  }
0x4f: {  	s7 =	simm.s32 $0x220  }
0x50: {  	[tilespmem:s13], [sflag:$0x1] =	stream.indirect.gather [hbm4b:s3+s10], $0x20, s7, s10, $0xb8;
	[tilespmem:$0x7400] =	vst v63  }
0x51: {  	s9 =	simm.s32 $0x240  }
0x52: {  	[tilespmem:s15], [sflag:$0x1] =	stream.indirect.gather [hbm4b:s3+s10], $0x20, s9, s10, $0xb8;
	[tilespmem:$0x7400] =	vst v63  }
0x53: {  	s2 =	simm.s32 $0x260  }
0x54: {  	[tilespmem:s17], [sflag:$0x1] =	stream.indirect.gather [hbm4b:s3+s10], $0x20, s2, s10, $0xb8;
	[tilespmem:$0x7400] =	vst v63  }
0x55: {  	s7 =	simm.s32 $0x280  }
0x56: {  	[tilespmem:s19], [sflag:$0x1] =	stream.indirect.gather [hbm4b:s3+s10], $0x20, s7, s10, $0xb8;
	[tilespmem:$0x7400] =	vst v63  }
0x57: {  	s9 =	simm.s32 $0x2A0  }
0x58: {  	[tilespmem:s21], [sflag:$0x1] =	stream.indirect.gather [hbm4b:s3+s10], $0x20, s9, s10, $0xb8;
	[tilespmem:$0x7400] =	vst v63  }
0x59: {  	s2 =	simm.s32 $0x2C0  }
0x5a: {  	[tilespmem:s23], [sflag:$0x1] =	stream.indirect.gather [hbm4b:s3+s10], $0x20, s2, s10, $0xb8;
	[tilespmem:$0x7400] =	vst v63  }
0x5b: {  	s7 =	simm.s32 $0x2E0  }
0x5c: {  	[tilespmem:s25], [sflag:$0x1] =	stream.indirect.gather [hbm4b:s3+s10], $0x20, s7, s10, $0xb8;
	[tilespmem:$0x7400] =	vst v63  }
0x5d: {  	_ =	swait.ge [sflag:s26], $0x1A00  }
0x5e: {  	[sflag:s26] =	ssyncset.done $0x0  }
0x5f: {  	[sflag:s26] =	ssyncadd.s32 $0xFFFFE600  }
0x60: {  	[hbm4b:s8+s12] =	stream.strided.scatter [tilespmem:s28], [sflag:$0x4], $0x340, s18, s12, $0x38;
	[tilespmem:$0x7400] =	vst v63  }
0x61: {  	s9 =	sadd.s32 $0x200, s8  }
0x62: {  	[hbm4b:s9+s12] =	stream.strided.scatter [tilespmem:s30], [sflag:$0x4], $0x340, s18, s12, $0x38;
	[tilespmem:$0x7400] =	vst v63  }
0x63: {  	s2 =	sadd.s32 $0x400, s8  }
0x64: {  	[hbm4b:s2+s12] =	stream.strided.scatter [tilespmem:s0], [sflag:$0x4], $0x340, s18, s12, $0x38;
	[tilespmem:$0x7400] =	vst v63  }
0x65: {  	s7 =	sadd.s32 $0x600, s8  }
0x66: {  	[hbm4b:s7+s12] =	stream.strided.scatter [tilespmem:s14], [sflag:$0x4], $0x340, s18, s12, $0x38;
	[tilespmem:$0x7400] =	vst v63  }
0x67: {  	s9 =	sadd.s32 $0x800, s8  }
0x68: {  	[hbm4b:s9+s12] =	stream.strided.scatter [tilespmem:s20], [sflag:$0x4], $0x340, s18, s12, $0x38;
	[tilespmem:$0x7400] =	vst v63  }
0x69: {  	s2 =	sadd.s32 $0xA00, s8  }
0x6a: {  	[hbm4b:s2+s12] =	stream.strided.scatter [tilespmem:s24], [sflag:$0x4], $0x340, s18, s12, $0x38;
	[tilespmem:$0x7400] =	vst v63  }
0x6b: {  	s7 =	sadd.s32 $0xC00, s8  }
0x6c: {  	[hbm4b:s7+s12] =	stream.strided.scatter [tilespmem:s29], [sflag:$0x4], $0x340, s18, s12, $0x38;
	[tilespmem:$0x7400] =	vst v63  }
0x6d: {  	s9 =	sadd.s32 $0xE00, s8  }
0x6e: {  	[hbm4b:s9+s12] =	stream.strided.scatter [tilespmem:s1], [sflag:$0x4], $0x340, s18, s12, $0x38;
	[tilespmem:$0x7400] =	vst v63  }
0x6f: {  	_ =	swait.ge [sflag:s31], $0x1A00  }
0x70: {  	[sflag:s31] =	ssyncset.done $0x0  }
0x71: {  	s2 =	simm.s32 $0x300;
	[sflag:s31] =	ssyncadd.s32 $0xFFFFE600  }
0x72: {  	[tilespmem:s28], [sflag:$0x2] =	stream.indirect.gather [hbm4b:s3+s10], $0x20, s2, s10, $0xb8;
	[tilespmem:$0x7400] =	vst v63  }
0x73: {  	s7 =	simm.s32 $0x320  }
0x74: {  	[tilespmem:s30], [sflag:$0x2] =	stream.indirect.gather [hbm4b:s3+s10], $0x20, s7, s10, $0xb8;
	[tilespmem:$0x7400] =	vst v63  }
0x75: {  	s9 =	simm.s32 $0x340  }
0x76: {  	[tilespmem:s0], [sflag:$0x2] =	stream.indirect.gather [hbm4b:s3+s10], $0x20, s9, s10, $0xb8;
	[tilespmem:$0x7400] =	vst v63  }
0x77: {  	s2 =	simm.s32 $0x360  }
0x78: {  	[tilespmem:s14], [sflag:$0x2] =	stream.indirect.gather [hbm4b:s3+s10], $0x20, s2, s10, $0xb8;
	[tilespmem:$0x7400] =	vst v63  }
0x79: {  	s7 =	simm.s32 $0x380  }
0x7a: {  	[tilespmem:s20], [sflag:$0x2] =	stream.indirect.gather [hbm4b:s3+s10], $0x20, s7, s10, $0xb8;
	[tilespmem:$0x7400] =	vst v63  }
0x7b: {  	s9 =	simm.s32 $0x3A0  }
0x7c: {  	[tilespmem:s24], [sflag:$0x2] =	stream.indirect.gather [hbm4b:s3+s10], $0x20, s9, s10, $0xb8;
	[tilespmem:$0x7400] =	vst v63  }
0x7d: {  	s2 =	simm.s32 $0x3C0  }
0x7e: {  	[tilespmem:s29], [sflag:$0x2] =	stream.indirect.gather [hbm4b:s3+s10], $0x20, s2, s10, $0xb8;
	[tilespmem:$0x7400] =	vst v63  }
0x7f: {  	s7 =	simm.s32 $0x3E0  }
0x80: {  	[tilespmem:s1], [sflag:$0x2] =	stream.indirect.gather [hbm4b:s3+s10], $0x20, s7, s10, $0xb8;
	[tilespmem:$0x7400] =	vst v63  }
0x81: {  	_ =	swait.ge [sflag:s16], $0x1A00  }
0x82: {  	[sflag:s16] =	ssyncset.done $0x0  }
0x83: {  	s9 =	sadd.s32 $0x1000, s8;
	[sflag:s16] =	ssyncadd.s32 $0xFFFFE600  }
0x84: {  	[hbm4b:s9+s12] =	stream.strided.scatter [tilespmem:s11], [sflag:$0x3], $0x340, s18, s12, $0x38;
	[tilespmem:$0x7400] =	vst v63  }
0x85: {  	s2 =	sadd.s32 $0x1200, s8  }
0x86: {  	[hbm4b:s2+s12] =	stream.strided.scatter [tilespmem:s13], [sflag:$0x3], $0x340, s18, s12, $0x38;
	[tilespmem:$0x7400] =	vst v63  }
0x87: {  	s7 =	sadd.s32 $0x1400, s8  }
0x88: {  	[hbm4b:s7+s12] =	stream.strided.scatter [tilespmem:s15], [sflag:$0x3], $0x340, s18, s12, $0x38;
	[tilespmem:$0x7400] =	vst v63  }
0x89: {  	s9 =	sadd.s32 $0x1600, s8  }
0x8a: {  	[hbm4b:s9+s12] =	stream.strided.scatter [tilespmem:s17], [sflag:$0x3], $0x340, s18, s12, $0x38;
	[tilespmem:$0x7400] =	vst v63  }
0x8b: {  	s2 =	sadd.s32 $0x1800, s8  }
0x8c: {  	[hbm4b:s2+s12] =	stream.strided.scatter [tilespmem:s19], [sflag:$0x3], $0x340, s18, s12, $0x38;
	[tilespmem:$0x7400] =	vst v63  }
0x8d: {  	s7 =	sadd.s32 $0x1A00, s8  }
0x8e: {  	[hbm4b:s7+s12] =	stream.strided.scatter [tilespmem:s21], [sflag:$0x3], $0x340, s18, s12, $0x38;
	[tilespmem:$0x7400] =	vst v63  }
0x8f: {  	s9 =	sadd.s32 $0x1C00, s8  }
0x90: {  	[hbm4b:s9+s12] =	stream.strided.scatter [tilespmem:s23], [sflag:$0x3], $0x340, s18, s12, $0x38;
	[tilespmem:$0x7400] =	vst v63  }
0x91: {  	s4 =	simm.s32 $0x800;
	s7 =	sadd.s32 $0x2000, s8;
	s9 =	sadd.s32 $0x1E00, s8  }
.LBB2_2:
0x92: {  	[hbm4b:s9+s12] =	stream.strided.scatter [tilespmem:s25], [sflag:$0x3], $0x340, s18, s12, $0x38;
	[tilespmem:$0x7400] =	vst v63  }
0x93: {  	s9 =	smov.u32 s4  }
0x94: {  	p0 =	sne.s32 s4, $0xF000;
	s4 =	sadd.s32 $0x800, s4;
	_ =	swait.ge [sflag:s22], $0x1A00  }
0x95: {  	s9 =	sshra.s32 s9, $0x2;
	[sflag:s22] =	ssyncset.done $0x0  }
0x96: {  	s2 =	sadd.s32 $0x200, s9;
	[sflag:s22] =	ssyncadd.s32 $0xFFFFE600  }
0x97: {  	[tilespmem:s11], [sflag:$0x1] =	stream.indirect.gather [hbm4b:s3+s10], $0x20, s2, s10, $0xb8;
	[tilespmem:$0x7400] =	vst v63  }
0x98: {  	s2 =	sadd.s32 $0x220, s9  }
0x99: {  	[tilespmem:s13], [sflag:$0x1] =	stream.indirect.gather [hbm4b:s3+s10], $0x20, s2, s10, $0xb8;
	[tilespmem:$0x7400] =	vst v63  }
0x9a: {  	s2 =	sadd.s32 $0x240, s9  }
0x9b: {  	[tilespmem:s15], [sflag:$0x1] =	stream.indirect.gather [hbm4b:s3+s10], $0x20, s2, s10, $0xb8;
	[tilespmem:$0x7400] =	vst v63  }
0x9c: {  	s2 =	sadd.s32 $0x260, s9  }
0x9d: {  	[tilespmem:s17], [sflag:$0x1] =	stream.indirect.gather [hbm4b:s3+s10], $0x20, s2, s10, $0xb8;
	[tilespmem:$0x7400] =	vst v63  }
0x9e: {  	s2 =	sadd.s32 $0x280, s9  }
0x9f: {  	[tilespmem:s19], [sflag:$0x1] =	stream.indirect.gather [hbm4b:s3+s10], $0x20, s2, s10, $0xb8;
	[tilespmem:$0x7400] =	vst v63  }
0xa0: {  	s2 =	sadd.s32 $0x2A0, s9  }
0xa1: {  	[tilespmem:s21], [sflag:$0x1] =	stream.indirect.gather [hbm4b:s3+s10], $0x20, s2, s10, $0xb8;
	[tilespmem:$0x7400] =	vst v63  }
0xa2: {  	s2 =	sadd.s32 $0x2C0, s9  }
0xa3: {  	[tilespmem:s23], [sflag:$0x1] =	stream.indirect.gather [hbm4b:s3+s10], $0x20, s2, s10, $0xb8;
	[tilespmem:$0x7400] =	vst v63  }
0xa4: {  	s2 =	sadd.s32 $0x2E0, s9  }
0xa5: {  	[tilespmem:s25], [sflag:$0x1] =	stream.indirect.gather [hbm4b:s3+s10], $0x20, s2, s10, $0xb8;
	[tilespmem:$0x7400] =	vst v63  }
0xa6: {  	_ =	swait.ge [sflag:s26], $0x1A00  }
0xa7: {  	[sflag:s26] =	ssyncset.done $0x0  }
0xa8: {  	[sflag:s26] =	ssyncadd.s32 $0xFFFFE600  }
0xa9: {  	[hbm4b:s7+s12] =	stream.strided.scatter [tilespmem:s28], [sflag:$0x4], $0x340, s18, s12, $0x38;
	[tilespmem:$0x7400] =	vst v63  }
0xaa: {  	s2 =	sadd.s32 $0x200, s7  }
0xab: {  	[hbm4b:s2+s12] =	stream.strided.scatter [tilespmem:s30], [sflag:$0x4], $0x340, s18, s12, $0x38;
	[tilespmem:$0x7400] =	vst v63  }
0xac: {  	s2 =	sadd.s32 $0x400, s7  }
0xad: {  	[hbm4b:s2+s12] =	stream.strided.scatter [tilespmem:s0], [sflag:$0x4], $0x340, s18, s12, $0x38;
	[tilespmem:$0x7400] =	vst v63  }
0xae: {  	s2 =	sadd.s32 $0x600, s7  }
0xaf: {  	[hbm4b:s2+s12] =	stream.strided.scatter [tilespmem:s14], [sflag:$0x4], $0x340, s18, s12, $0x38;
	[tilespmem:$0x7400] =	vst v63  }
0xb0: {  	s2 =	sadd.s32 $0x800, s7  }
0xb1: {  	[hbm4b:s2+s12] =	stream.strided.scatter [tilespmem:s20], [sflag:$0x4], $0x340, s18, s12, $0x38;
	[tilespmem:$0x7400] =	vst v63  }
0xb2: {  	s2 =	sadd.s32 $0xA00, s7  }
0xb3: {  	[hbm4b:s2+s12] =	stream.strided.scatter [tilespmem:s24], [sflag:$0x4], $0x340, s18, s12, $0x38;
	[tilespmem:$0x7400] =	vst v63  }
0xb4: {  	s2 =	sadd.s32 $0xC00, s7  }
0xb5: {  	[hbm4b:s2+s12] =	stream.strided.scatter [tilespmem:s29], [sflag:$0x4], $0x340, s18, s12, $0x38;
	[tilespmem:$0x7400] =	vst v63  }
0xb6: {  	s2 =	sadd.s32 $0xE00, s7  }
0xb7: {  	[hbm4b:s2+s12] =	stream.strided.scatter [tilespmem:s1], [sflag:$0x4], $0x340, s18, s12, $0x38;
	[tilespmem:$0x7400] =	vst v63  }
0xb8: {  	_ =	swait.ge [sflag:s31], $0x1A00  }
0xb9: {  	[sflag:s31] =	ssyncset.done $0x0  }
0xba: {  	s2 =	sadd.s32 $0x300, s9;
	[sflag:s31] =	ssyncadd.s32 $0xFFFFE600  }
0xbb: {  	[tilespmem:s28], [sflag:$0x2] =	stream.indirect.gather [hbm4b:s3+s10], $0x20, s2, s10, $0xb8;
	[tilespmem:$0x7400] =	vst v63  }
0xbc: {  	s2 =	sadd.s32 $0x320, s9  }
0xbd: {  	[tilespmem:s30], [sflag:$0x2] =	stream.indirect.gather [hbm4b:s3+s10], $0x20, s2, s10, $0xb8;
	[tilespmem:$0x7400] =	vst v63  }
0xbe: {  	s2 =	sadd.s32 $0x340, s9  }
0xbf: {  	[tilespmem:s0], [sflag:$0x2] =	stream.indirect.gather [hbm4b:s3+s10], $0x20, s2, s10, $0xb8;
	[tilespmem:$0x7400] =	vst v63  }
0xc0: {  	s2 =	sadd.s32 $0x360, s9  }
0xc1: {  	[tilespmem:s14], [sflag:$0x2] =	stream.indirect.gather [hbm4b:s3+s10], $0x20, s2, s10, $0xb8;
	[tilespmem:$0x7400] =	vst v63  }
0xc2: {  	s2 =	sadd.s32 $0x380, s9  }
0xc3: {  	[tilespmem:s20], [sflag:$0x2] =	stream.indirect.gather [hbm4b:s3+s10], $0x20, s2, s10, $0xb8;
	[tilespmem:$0x7400] =	vst v63  }
0xc4: {  	s2 =	sadd.s32 $0x3A0, s9  }
0xc5: {  	[tilespmem:s24], [sflag:$0x2] =	stream.indirect.gather [hbm4b:s3+s10], $0x20, s2, s10, $0xb8;
	[tilespmem:$0x7400] =	vst v63  }
0xc6: {  	s2 =	sadd.s32 $0x3C0, s9  }
0xc7: {  	[tilespmem:s29], [sflag:$0x2] =	stream.indirect.gather [hbm4b:s3+s10], $0x20, s2, s10, $0xb8;
	[tilespmem:$0x7400] =	vst v63  }
0xc8: {  	s2 =	sadd.s32 $0x3E0, s9  }
0xc9: {  	[tilespmem:s1], [sflag:$0x2] =	stream.indirect.gather [hbm4b:s3+s10], $0x20, s2, s10, $0xb8;
	[tilespmem:$0x7400] =	vst v63  }
0xca: {  	_ =	swait.ge [sflag:s16], $0x1A00  }
0xcb: {  	[sflag:s16] =	ssyncset.done $0x0  }
0xcc: {  	s2 =	sadd.s32 $0x1000, s7;
	[sflag:s16] =	ssyncadd.s32 $0xFFFFE600  }
0xcd: {  	[hbm4b:s2+s12] =	stream.strided.scatter [tilespmem:s11], [sflag:$0x3], $0x340, s18, s12, $0x38;
	[tilespmem:$0x7400] =	vst v63  }
0xce: {  	s2 =	sadd.s32 $0x1200, s7  }
0xcf: {  	[hbm4b:s2+s12] =	stream.strided.scatter [tilespmem:s13], [sflag:$0x3], $0x340, s18, s12, $0x38;
	[tilespmem:$0x7400] =	vst v63  }
0xd0: {  	s2 =	sadd.s32 $0x1400, s7  }
0xd1: {  	[hbm4b:s2+s12] =	stream.strided.scatter [tilespmem:s15], [sflag:$0x3], $0x340, s18, s12, $0x38;
	[tilespmem:$0x7400] =	vst v63  }
0xd2: {  	s2 =	sadd.s32 $0x1600, s7  }
0xd3: {  	[hbm4b:s2+s12] =	stream.strided.scatter [tilespmem:s17], [sflag:$0x3], $0x340, s18, s12, $0x38;
	[tilespmem:$0x7400] =	vst v63  }
0xd4: {  	s2 =	sadd.s32 $0x1800, s7  }
0xd5: {  	[hbm4b:s2+s12] =	stream.strided.scatter [tilespmem:s19], [sflag:$0x3], $0x340, s18, s12, $0x38;
	[tilespmem:$0x7400] =	vst v63  }
.Ltmp0:
0xd6: {  	s2 =	sadd.s32 $0x1A00, s7;
	(pc) =	sbr.rel @p0 .LBB2_2-.Ltmp0, $4  }
0xd7: {  	[hbm4b:s2+s12] =	stream.strided.scatter [tilespmem:s21], [sflag:$0x3], $0x340, s18, s12, $0x38;
	[tilespmem:$0x7400] =	vst v63  }
0xd8: {  	s2 =	sadd.s32 $0x1C00, s7  }
0xd9: {  	[hbm4b:s2+s12] =	stream.strided.scatter [tilespmem:s23], [sflag:$0x3], $0x340, s18, s12, $0x38;
	[tilespmem:$0x7400] =	vst v63  }
0xda: {  	s9 =	sadd.s32 $0x1E00, s7;
	s7 =	sadd.s32 $0x2000, s7  }
0xdb: {  	[hbm4b:s9+s12] =	stream.strided.scatter [tilespmem:s25], [sflag:$0x3], $0x340, s18, s12, $0x38;
	[tilespmem:$0x7400] =	vst v63  }
0xdc: {  	_ =	swait.ge [sflag:s26], $0x1A00  }
0xdd: {  	[sflag:s26] =	ssyncset.done $0x0  }
0xde: {  	[sflag:s26] =	ssyncadd.s32 $0xFFFFE600  }
0xdf: {  	[hbm4b:s6+s12] =	stream.strided.scatter [tilespmem:s28], [sflag:$0x4], $0x340, s18, s12, $0x38;
	[tilespmem:$0x7400] =	vst v63  }
0xe0: {  	s2 =	sadd.s32 $0x200, s6  }
0xe1: {  	[hbm4b:s2+s12] =	stream.strided.scatter [tilespmem:s30], [sflag:$0x4], $0x340, s18, s12, $0x38;
	[tilespmem:$0x7400] =	vst v63  }
0xe2: {  	s9 =	sadd.s32 $0x400, s6  }
0xe3: {  	[hbm4b:s9+s12] =	stream.strided.scatter [tilespmem:s0], [sflag:$0x4], $0x340, s18, s12, $0x38;
	[tilespmem:$0x7400] =	vst v63  }
0xe4: {  	s4 =	sadd.s32 $0x600, s6  }
0xe5: {  	[hbm4b:s4+s12] =	stream.strided.scatter [tilespmem:s14], [sflag:$0x4], $0x340, s18, s12, $0x38;
	[tilespmem:$0x7400] =	vst v63  }
0xe6: {  	s7 =	sadd.s32 $0x800, s6  }
0xe7: {  	[hbm4b:s7+s12] =	stream.strided.scatter [tilespmem:s20], [sflag:$0x4], $0x340, s18, s12, $0x38;
	[tilespmem:$0x7400] =	vst v63  }
0xe8: {  	s9 =	sadd.s32 $0xA00, s6  }
0xe9: {  	[hbm4b:s9+s12] =	stream.strided.scatter [tilespmem:s24], [sflag:$0x4], $0x340, s18, s12, $0x38;
	[tilespmem:$0x7400] =	vst v63  }
0xea: {  	s4 =	sadd.s32 $0xC00, s6  }
0xeb: {  	[hbm4b:s4+s12] =	stream.strided.scatter [tilespmem:s29], [sflag:$0x4], $0x340, s18, s12, $0x38;
	[tilespmem:$0x7400] =	vst v63  }
0xec: {  	s7 =	sadd.s32 $0xE00, s6  }
0xed: {  	[hbm4b:s7+s12] =	stream.strided.scatter [tilespmem:s1], [sflag:$0x4], $0x340, s18, s12, $0x38;
	[tilespmem:$0x7400] =	vst v63  }
0xee: {  	_ =	swait.ge [sflag:s22], $0x1A00  }
0xef: {  	[sflag:s22] =	ssyncset.done $0x0  }
0xf0: {  	[sflag:s22] =	ssyncadd.s32 $0xFFFFE600  }
0xf1: {  	_ =	swait.ge [sflag:s31], $0x1A00  }
0xf2: {  	s4 =	rddreg [dreg:$0x5]  }
0xf3: {  	s9 =	rddreg [dreg:$0x4];
	s4 =	sadd.s32 $0x1, s4  }
0xf4: {  	p0 =	sne.s32 s4, s9  }
.Ltmp1:
0xf5: {  	_ = 	snop;
	(pc) =	sbr.rel @p0 .LBB2_1-.Ltmp1, $3  }
0xf6: {  	_ =	sdelay $0x1  }
0xf7: {  	[sflag:s31] =	ssyncset.done $0x0  }
0xf8: {  	[sflag:s31] =	ssyncadd.s32 $0xFFFFE600  }
0xf9: {  	_ =	sfence.sel $0x180000  }
0xfa: {  	[bflag:$0x0] =	sbarrier.arrive $0xFFFF  }
0xfb: {  	_ =	strace $0x9000004A  }
0xfc: {  	s0 =	stileid.u32;
	[bflag:$0x2] =	sbarrier.arrive $0xFFFF  }
0xfd: {  	p0 =	sne.s32 s0, $0x0;
	s0 =	rddreg [dreg:$0x2]  }
0xfe: {  	s0 =	sadd.s32 @!p0 $0x100000, s0  }
0xff: {  	[sflag:s0] =	ssyncadd.tile.s32 @!p0 $0x1;
	_ =	shalt  }
.Lfunc_end2:
_tile_overlayer_lowered:
.L_overlay_start_2:
0x100: {  	(tag) =	ssettag $0x2  }
0x101: {  	s0 =	rddreg [dreg:$0x0];
	s2 =	stileid.u32  }
0x102: {  	s1 =	rddreg [dreg:$0x1];
	p0 =	sne.s32 s2, $0x0  }
0x103: {  	s3 =	rddreg [dreg:$0x2];
	[bflag:$0x3] =	sbarrier.arrive $0xFFFF;
	s2 =	simm.s32 @!p0 $0x1C05  }
0x104: {  	[timem:s3], [sflag:s2] =	dma.local @!p0 [hbm:s0], s1  }
0x105: {  	s0 =	simm.s32 @!p0 $0x5  }
0x106: {  	_ =	swait.ge @!p0 [sflag:s0], s1  }
0x107: {  	s1 =	ssub.s32 @!p0 $0x0, s1;
	[sflag:s0] =	ssyncset.done @!p0 $0x0  }
0x108: {  	[sflag:s0] =	ssyncadd.s32 @!p0 s1  }
0x109: {  	[bflag:$0x3] =	sbarrier.arrive $0xFFFF  }
0x10a: {  	_ =	shalt  }

// kernel: sparse-core-data-format-call.1.cloned.1.call-start
scs
called_computation.1_lowered:
.L_overlay_start_0:
0x0: {  	s2 =	sld [smem:$0x3FD9]  }
0x1: {  	s3 =	sld [smem:$0x3FFE];
	_ =	sdelay $0x1  }
0x2: {  	s1 =	srdreg.scid  }
0x3: {  	s0 =	sand.u32 $0x1, s1  }
0x4: {  	s18 =	sshll.u32 s0, $0xA;
	s2 =	sadd.s32 s3, s2  }
0x5: {  	s2 =	sadd.s32 s2, s18  }
0x6: {  	[smem:$0x3FC6] =	sst s2  }
0x7: {  	_ = 	snop  }
0x8: {  	s2 =	sld [smem:$0x3FC8];
	(tm) =	ssettm $0x1  }
0x9: {  	s19 =	sld [smem:$0x3FFB];
	_ =	sdelay $0x3  }
0xa: {  	_ =	strace s19  }
0xb: {  	s3 =	sld [smem:$0x3FFC];
	_ =	sdelay $0x3  }
0xc: {  	_ =	strace s3  }
0xd: {  	s3 =	sld [smem:$0x3FFD];
	_ =	sdelay $0x3  }
0xe: {  	_ =	strace s3  }
0xf: {  	_ =	strace $0x8FFFFFFF  }
0x10: {  	s20 =	sld [smem:$0x3FDB];
	_ =	sdelay $0x1  }
0x11: {  	s4 =	simm.s32 $_scs_section_size  }
0x12: {  	s5 =	simm.s32 $_size__tile_overlayer_lowered;
	s6 =	simm.s32 $_tile_overlayer_lowered  }
0x13: {  	s23 =	simm.s32 $0x1BFF;
	s22 =	sshll.u32 s6, $0x1;
	s3 =	sadd.s32 s4, s20  }
0x14: {  	s7 =	simm.s32 $0x0;
	s21 =	sshll.u32 s5, $0x1;
	s5 =	sadd.s32 s22, s3  }
0x15: {  	[timem:s7], [sflag:s23] =	dma.local [hbm:s5], s21  }
0x16: {  	_ =	swait.ge [sflag:s23], s21  }
0x17: {  	s4 =	ssub.s32 $0x0, s21;
	[sflag:s23] =	ssyncset.done $0x0  }
0x18: {  	[sflag:s23] =	ssyncadd.s32 s4;
	_ =	sdelay $0x1  }
0x19: {  	s24 =	simm.s32 $0x1B8B  }
0x1a: {  	_ =	swait.ge [sflag:s24], $0x1  }
0x1b: {  	[sflag:s24] =	ssyncset.done $0x0  }
0x1c: {  	s26 =	simm.s32 $0x1B8E;
	s25 =	sld [smem:$0x3FFE];
	[sflag:s24] =	ssyncadd.s32 $0xFFFFFFFF  }
0x1d: {  	s27 =	simm.s32 $execute0_lowered;
	[smem:$0x3FD2] =	sst s26  }
0x1e: {  	s5 =	sshll.u32 s27, $0x1;
	_ =	strace $0x80000046;
	[dreg:$0x1] =	wrdreg $0xFFFFFFFF  }
0x1f: {  	s28 =	simm.s32 $_size_execute0_lowered;
	s3 =	sadd.s32 s3, s5;
	[dreg:$0x0] =	wrdreg $0x0  }
0x20: {  	s5 =	sshll.u32 s28, $0x1;
	[dreg:$0x2] =	wrdreg s3  }
0x21: {  	[dreg:$0x3] =	wrdreg s5  }
0x22: {  	[dreg:$0x4] =	wrdreg $0xC0  }
0x23: {  	_ =	task [dreg:s7], $0x5FFFF  }
0x24: {  	[dreg:$0x1] =	wrdreg $0xFFFFFFFF  }
0x25: {  	[dreg:$0x0] =	wrdreg $0x60  }
0x26: {  	[dreg:$0x2] =	wrdreg s2  }
0x27: {  	[dreg:$0x3] =	wrdreg s25  }
0x28: {  	[dreg:$0x4] =	wrdreg $0x9  }
0x29: {  	_ =	task.clear_ibuf [dreg:s7], $0x5FFFF;
	_ =	strace $0x90000046  }
0x2a: {  	s29 =	simm.s32 $0x9;
	_ =	strace $0x80000048  }
0x2b: {  	_ =	swait.ge [sflag:s29], $0x1  }
0x2c: {  	[sflag:s29] =	ssyncadd.s32 $0xFFFFFFFF  }
0x2d: {  	_ =	strace $0x90000048  }
0x2e: {  	_ =	sfence  }
0x2f: {  	s30 =	sld [smem:$0x0];
	_ =	sdelay $0x2  }
0x30: {  	s31 =	sshll.u32 s1, $0xD;
	s1 =	sshrl.u32 s1, $0x2  }
0x31: {  	s3 =	sand.u32 $0x4000, s31;
	s1 =	sadd.s32 s1, s30  }
0x32: {  	s0 =	sor.u32 s3, s0;
	s1 =	sshll.u32 s1, $0x11  }
0x33: {  	s0 =	sor.u32 s1, s0  }
0x34: {  	s0 =	sadd.s32 $0x8F2B, s0  }
0x35: {  	[sflag:s0] =	ssyncadd.remote.s32 $0x1  }
0x36: {  	_ =	sfence.sel $0xFFFF  }
0x37: {  	[dreg:$0x0] =	wrdreg $0xFFFFFFFF;
	(pc) =	sbr.abs _section_cstart, $3  }
0x38: {  	[dreg:$0x1] =	wrdreg $0xFFFFFFFF  }
0x39: {  	_ =	task.clear_ibuf [dreg:s7], $0x2FFFF;
	_ =	strace $0x9FFFFFFF  }
0x3a: {  	(tm) =	ssettm $0x7FFFFFFF  }
0x3b: {  	_ =	shalt  }
tec
execute0_lowered:
.L_overlay_start_1:
0x0: {  	(tag) =	ssettag $0x1  }
0x1: {  	s0 =	srdreg.scid;
	s2 =	rddreg [dreg:$0x0]  }
0x2: {  	s5 =	rddreg [dreg:$0x1];
	s1 =	stileid.u32  }
0x3: {  	s4 =	simm.s32 $0x1;
	s6 =	simm.s32 $0x2;
	s15 =	simm.s32 $0x0  }
0x4: {  	p0 =	por $0x0, $0x0;
	s8 =	simm.s32 $0x80;
	s0 =	sshll.u32 s0, $0x4  }
0x5: {  	s14 =	simm.s32 $0x0;
	s9 =	simm.s32 $0x0;
	s3 =	sand.u32 $0x10, s0  }
.Ltmp0:
0x6: {  	s10 =	simm.s32 $0x0;
	s3 =	sor.u32 s1, s3;
	(pc) =	sbr.rel .LBB1_1-.Ltmp0, $4  }
0x7: {  	s0 =	rddreg [dreg:$0x2];
	_ =	strace $0x80000047;
	s3 =	sshll.u32 s3, $0x7  }
0x8: {  	s12 =	simm.s32 $0x0;
	[sflag:s4] =	ssyncpa.u1 $0x0;
	s7 =	ssub.s32 $0xF4200, s3  }
0x9: {  	s13 =	simm.s32 $0x0;
	[sflag:s6] =	ssyncpa.u1 $0x0;
	s6 =	sshrl.u32 s7, $0xC  }
0xa: {  	s5 =	sadd.s32 $0xE00, s5;
	s11 =	smov.u32 s3;
	s7 =	sadd.s32 $0x2, s6  }
.LBB1_5:
0xb: {  	p1 =	slt.u32 s13, $0x2  }
0xc: {  	s17 =	smov.u32 s15;
	p2 =	sgt.s32 @!p1 s15, $0xF41C0;
	s16 =	sshra.s32 @!p1 s15, $0x1F  }
0xd: {  	p3 =	sgt.s32 @!p1 s14, $0x60;
	s18 =	sshra.s32 @!p1 s14, $0x1F;
	p2 =	por !p2, p1  }
0xe: {  	s15 =	sand.u32 @!p1 s16, s15;
	p3 =	por !p3, p1;
	s16 =	smov.u32 s14  }
0xf: {  	s14 =	sand.u32 @!p1 s18, s14;
	s17 =	simm.s32 @p2 $0xF41C0;
	s16 =	simm.s32 @p3 $0x60  }
0x10: {  	s15 =	ssub.s32 @!p1 s17, s15;
	s14 =	ssub.s32 @!p1 s16, s14  }
0x11: {  	s18 =	smov.u32 s12;
	s16 =	sadd.s32 @!p1 $0xFFF0BE40, s15;
	s17 =	sadd.s32 @!p1 $0xFFFFFFA0, s14  }
0x12: {  	s15 =	ssub.s32 @!p1 $0xF4240, s15;
	p2 =	sgt.s32 @!p1 s16, $0x7F;
	p3 =	sgt.s32 @!p1 s17, $0x1F  }
0x13: {  	s14 =	ssub.s32 @!p1 $0x80, s14;
	p2 =	por !p2, p1;
	p3 =	por !p3, p1  }
0x14: {  	s16 =	sadd.s32 $0x1000, s11;
	s15 =	simm.s32 @!p2 $0x0;
	s14 =	simm.s32 @!p3 $0x0  }
0x15: {  	p2 =	sgt.s32 s16, $0xF423F;
	s14 =	smul.u32 @!p1 s14, s15;
	s15 =	sadd.s32 $0x20, s12  }
0x16: {  	s18 =	smov.u32 @p2 s15  }
0x17: {  	s16 =	smov.u32 @p2 s3;
	p2 =	sgt.s32 s18, $0x1F  }
0x18: {  	s18 =	simm.s32 @p2 $0x0;
	p2 =	sne.s32 s13, s7  }
.Ltmp1:
0x19: {  	p0 =	por !p0, !p0;
	s17 =	simm.s32 @!p1 $0x2;
	(pc) =	sbr.rel @!p2 .LBB1_6-.Ltmp1, $4  }
0x1a: {  	s15 =	smov.u32 s9;
	s9 =	smov.u32 s11;
	s14 =	sand.u32 @!p1 $0x3FFFFFFF, s14  }
0x1b: {  	s11 =	smov.u32 s16;
	_ =	swait.ge @!p1 [sflag:s17], s14;
	s19 =	ssub.s32 @!p1 $0x0, s14  }
0x1c: {  	s14 =	smov.u32 s10;
	s13 =	sadd.s32 $0x1, s13;
	[sflag:s17] =	ssyncset.done @!p1 $0x0  }
0x1d: {  	s10 =	smov.u32 s12;
	s12 =	smov.u32 s18;
	[sflag:s17] =	ssyncadd.s32 @!p1 s19  }
.LBB1_1:
0x1e: {  	p1 =	sgt.u32 s13, s6  }
0x1f: {  	s16 =	sshrl.u32 @!p1 s12, $0x3  }
0x20: {  	s17 =	sshll.u32 @!p1 s11, $0x3;
	s16 =	smul.u32 @!p1 $0x7A1400, s16  }
0x21: {  	s18 =	sshll.u32 @!p1 s12, $0x7;
	s17 =	sand.u32 @!p1 $0xFFFFFC00, s17  }
0x22: {  	s16 =	sadd.s32 @!p1 s16, s17;
	s17 =	sand.u32 @!p1 $0x380, s18  }
0x23: {  	s18 =	sand.u32 @!p1 $0x7F, s11;
	s16 =	sor.u32 @!p1 s17, s16  }
0x24: {  	s17 =	sor.u32 @!p1 s18, s16  }
0x25: {  	s18 =	smulhi.u32 @!p1 $0x218D6287, s17;
	_ =	sdelay $0x1  }
0x26: {  	s16 =	smulhi.u32 @!p1 $0x218D6287, s16;
	s18 =	sshrl.u32 @!p1 s18, $0x11  }
0x27: {  	s18 =	smul.u32 @!p1 $0xF4280, s18  }
0x28: {  	s19 =	sxor.u32 @!p1 $0xFFFFFFFF, s13;
	s16 =	sshrl.u32 @!p1 s16, $0x11  }
0x29: {  	s19 =	sshll.u32 @!p1 s19, $0xC;
	s16 =	sand.u32 @!p1 $0x1F, s16;
	s17 =	ssub.s32 @!p1 s17, s18  }
0x2a: {  	s16 =	smul.u32 @!p1 $0x1E850, s16;
	s18 =	sshrl.u32 @!p1 s17, $0x3;
	s17 =	sand.u32 @!p1 $0x7, s17  }
0x2b: {  	s19 =	sand.u32 @!p1 $0x1000, s19;
	s18 =	sadd.s32 @!p1 s2, s18;
	s17 =	sshll.u32 @!p1 s17, $0x12  }
0x2c: {  	s16 =	sadd.s32 @!p1 s16, s18;
	s17 =	sor.u32 @!p1 $0x400, s17;
	s18 =	simm.s32 @!p1 $0x7A1400  }
0x2d: {  	[tilespmem:s19], [sflag:$0x1] =	stream.strided.gather @!p1 [hbm4b:s16+s17], $0x1000, s18, s17, $0x38;
	[tilespmem:$0x4100] =	vst v63  }
0x2e: {  	p1 =	seq.s32 s13, $0x0  }
0x2f: {  	p2 =	sge.u32 @!p1 s13, s7  }
0x30: {  	p1 =	por p1, p2  }
.Ltmp2:
0x31: {  	_ = 	snop;
	(pc) =	sbr.rel @p1 .LBB1_5-.Ltmp2, $1  }
0x32: {  	_ =	sdelay $0x3  }
0x33: {  	s16 =	simm.s32 $0x1  }
0x34: {  	_ =	swait.ge [sflag:s4], $0x1000;
	s16 =	simm.s32 @!p0 $0x0  }
0x35: {  	[sflag:s4] =	ssyncset.done $0x0;
	s17 =	sshll.u32 s16, $0xC  }
0x36: {  	[sflag:s4] =	ssyncadd.s32 $0xFFFFF000;
	s17 =	sor.u32 $0x40, s17  }
0x37: {  	s16 =	smul.u32 $0x4200, s16;
	v0 =	vld [tilespmem:s17+$0x30]  }
0x38: {  	v1 =	vld [tilespmem:s17+$0xFFFFFFD0]  }
0x39: {  	s16 =	sshrl.u32 s16, $0x2;
	v5 =	vld [tilespmem:s17+$0xFFFFFFE0]  }
0x3a: {  	v6 =	vld [tilespmem:s17+$0xFFFFFFF0];
	s19 =	sor.u32 $0x2000, s16  }
0x3b: {  	s31 =	sand.u32 $0x1, s13;
	v4 =	vld [tilespmem:s17+$0x0];
	s18 =	sadd.s32 $0x0, s19  }
0x3c: {  	v3 =	vld [tilespmem:s17+$0x10];
	s16 =	smul.u32 $0x4200, s31;
	[tilespmem:s18+$0xE70 ss:$0x21] =	vst.msk $0xffff, v0  }
0x3d: {  	v2 =	vld [tilespmem:s17+$0x20];
	[tilespmem:s18+$0x210 ss:$0x21] =	vst.msk $0xffff, v1  }
0x3e: {  	s16 =	sshrl.u32 s16, $0x2;
	v1 =	vld [tilespmem:s17+$0xFFFFFFC0];
	[tilespmem:s18+$0x420 ss:$0x21] =	vst.msk $0xffff, v5;
	s17 =	sadd.s32 $0x80, s17  }
0x3f: {  	s20 =	simm.s32 $0x4;
	s21 =	simm.s32 $0x8;
	s16 =	sor.u32 $0x2000, s16;
	[tilespmem:s18+$0x630 ss:$0x21] =	vst.msk $0xffff, v6;
	v0 =	vld [tilespmem:s17+$0x30]  }
.LBB1_3:
0x40: {  	p1 =	sne.s32 s21, $0x7C;
	v5 =	vld [tilespmem:s17+$0xFFFFFFD0];
	[tilespmem:s18+$0x840 ss:$0x21] =	vst.msk $0xffff, v4  }
0x41: {  	v6 =	vld [tilespmem:s17+$0xFFFFFFE0];
	[tilespmem:s18+$0xA50 ss:$0x21] =	vst.msk $0xffff, v3  }
0x42: {  	s22 =	sshra.s32 s20, $0x2;
	s20 =	smov.u32 s21;
	v7 =	vld [tilespmem:s17+$0xFFFFFFF0];
	[tilespmem:s18+$0xC60 ss:$0x21] =	vst.msk $0xffff, v2  }
.Ltmp3:
0x43: {  	v4 =	vld [tilespmem:s17+$0x0];
	[tilespmem:s18+$0x0 ss:$0x21] =	vst.msk $0xffff, v1;
	s18 =	sadd.s32 s22, s19;
	(pc) =	sbr.rel @p1 .LBB1_3-.Ltmp3, $4  }
0x44: {  	v3 =	vld [tilespmem:s17+$0x10];
	[tilespmem:s18+$0xE70 ss:$0x21] =	vst.msk $0xffff, v0  }
0x45: {  	[tilespmem:s18+$0x210 ss:$0x21] =	vst.msk $0xffff, v5;
	v2 =	vld [tilespmem:s17+$0x20]  }
0x46: {  	v1 =	vld [tilespmem:s17+$0xFFFFFFC0];
	[tilespmem:s18+$0x420 ss:$0x21] =	vst.msk $0xffff, v6;
	s17 =	sadd.s32 $0x80, s17  }
0x47: {  	s21 =	sadd.s32 $0x4, s21;
	v0 =	vld [tilespmem:s17+$0x30];
	[tilespmem:s18+$0x630 ss:$0x21] =	vst.msk $0xffff, v7  }
0x48: {  	s21 =	sshll.u32 s9, $0x7;
	s22 =	sshll.u32 s10, $0x3;
	s20 =	sshra.s32 s20, $0x2  }
0x49: {  	p1 =	sgt.s32 s9, $0xF41C0;
	s30 =	sshra.s32 s9, $0x1F;
	s25 =	sshra.s32 s10, $0x1F  }
0x4a: {  	v5 =	vld [tilespmem:s17+$0xFFFFFFD0];
	s28 =	sshrl.u32 s10, $0x3;
	s23 =	sand.u32 $0xFFFFFC00, s21;
	s22 =	sand.u32 $0xFFFFFC00, s22  }
0x4b: {  	[tilespmem:s18+$0x840 ss:$0x21] =	vst.msk $0xffff, v4;
	v58 =	vld [tilespmem:s17+$0xFFFFFFE0];
	s21 =	sand.u32 $0x380, s21;
	s19 =	sadd.s32 s20, s19;
	s22 =	sadd.s32 s22, s23  }
0x4c: {  	v59 =	vld [tilespmem:s17+$0xFFFFFFF0];
	[tilespmem:s18+$0xA50 ss:$0x21] =	vst.msk $0xffff, v3;
	s29 =	sor.u32 s21, s22;
	s21 =	smov.u32 s9;
	s22 =	sand.u32 s30, s9  }
0x4d: {  	v60 =	vld [tilespmem:s17+$0x0];
	[tilespmem:s18+$0xC60 ss:$0x21] =	vst.msk $0xffff, v2;
	s30 =	sand.u32 $0x7, s10;
	s20 =	sshrl.u32 s29, $0x7;
	s21 =	simm.s32 @!p1 $0xF41C0  }
0x4e: {  	v61 =	vld [tilespmem:s17+$0x10];
	[tilespmem:s18+$0x0 ss:$0x21] =	vst.msk $0xffff, v1;
	p1 =	sgt.s32 s10, $0x60;
	s24 =	ssub.s32 s21, s22;
	s21 =	smov.u32 s10  }
0x4f: {  	v62 =	vld [tilespmem:s17+$0x20];
	[tilespmem:s19+$0xE70 ss:$0x21] =	vst.msk $0xffff, v0;
	s31 =	smulhi.u32 $0x218DEF5, s20;
	s22 =	sand.u32 s25, s10;
	s21 =	simm.s32 @!p1 $0x60  }
0x50: {  	v63 =	vld [tilespmem:s17+$0xFFFFFFC0];
	[tilespmem:s19+$0x210 ss:$0x21] =	vst.msk $0xffff, v5;
	s26 =	sadd.s32 $0xFFF0BE40, s24;
	s17 =	ssub.s32 $0xF4240, s24;
	s21 =	ssub.s32 s21, s22  }
0x51: {  	[tilespmem:s19+$0x420 ss:$0x21] =	vst.msk $0xffff, v58;
	s23 =	sshrl.u32 s31, $0xD;
	p1 =	sgt.s32 s26, $0x7F;
	s27 =	sadd.s32 $0xFFFFFFA0, s21  }
0x52: {  	[tilespmem:s19+$0x630 ss:$0x21] =	vst.msk $0xffff, v59;
	s23 =	smul.u32 $0xF4240, s23;
	s18 =	ssub.s32 $0x80, s21;
	p2 =	sgt.s32 s27, $0x1F  }
.Ltmp4:
0x53: {  	[tilespmem:s19+$0x840 ss:$0x21] =	vst.msk $0xffff, v60;
	s17 =	simm.s32 @p1 $0x0;
	s18 =	simm.s32 @p2 $0x0;
	(pc) =	sbr.rel .LBB1_5-.Ltmp4, $4  }
0x54: {  	s29 =	sand.u32 $0xF, s28;
	[tilespmem:s19+$0xA50 ss:$0x21] =	vst.msk $0xffff, v61;
	s20 =	ssub.s32 s20, s23;
	s17 =	smul.u32 s18, s17  }
0x55: {  	[tilespmem:s19+$0xC60 ss:$0x21] =	vst.msk $0xffff, v62;
	s21 =	sshll.u32 s30, $0x12;
	s20 =	sshll.u32 s20, $0x4;
	s18 =	sadd.s32 s5, s29  }
0x56: {  	[tilespmem:s19+$0x0 ss:$0x21] =	vst.msk $0xffff, v63;
	s31 =	sor.u32 $0x20, s21;
	s18 =	sadd.s32 s20, s18;
	s17 =	sand.u32 $0x3FFFFFFF, s17  }
0x57: {  	[hbm4b:s18+s31] =	stream.strided.scatter [tilespmem:s16], [sflag:$0x2], s17, s8, s31, $0x10;
	[tilespmem:$0x4100] =	vst v63  }
.LBB1_6:
0x58: {  	_ =	sfence.sel $0x180000  }
0x59: {  	s2 =	simm.s32 $0x1;
	[bflag:$0x0] =	sbarrier.arrive $0xFFFF  }
0x5a: {  	s31 =	simm.s32 $0x2;
	[sflag:s2] =	ssyncpa.u1 $0x1  }
0x5b: {  	[sflag:s31] =	ssyncpa.u1 $0x1  }
0x5c: {  	p0 =	sne.s32 s1, $0x0;
	_ =	strace $0x90000047  }
0x5d: {  	s0 =	sadd.s32 @!p0 $0x100000, s0;
	[bflag:$0x2] =	sbarrier.arrive $0xFFFF  }
0x5e: {  	[sflag:s0] =	ssyncadd.tile.s32 @!p0 $0x1;
	_ =	shalt  }
.Lfunc_end1:
_tile_overlayer_lowered:
.L_overlay_start_2:
0x5f: {  	(tag) =	ssettag $0x2  }
0x60: {  	s0 =	rddreg [dreg:$0x0];
	s2 =	stileid.u32  }
0x61: {  	s1 =	rddreg [dreg:$0x1];
	p0 =	sne.s32 s2, $0x0  }
0x62: {  	s3 =	rddreg [dreg:$0x2];
	[bflag:$0x3] =	sbarrier.arrive $0xFFFF;
	s2 =	simm.s32 @!p0 $0x1C01  }
0x63: {  	[timem:s3], [sflag:s2] =	dma.local @!p0 [hbm:s0], s1  }
0x64: {  	s0 =	simm.s32 @!p0 $0x1  }
0x65: {  	_ =	swait.ge @!p0 [sflag:s0], s1  }
0x66: {  	s1 =	ssub.s32 @!p0 $0x0, s1;
	[sflag:s0] =	ssyncset.done @!p0 $0x0  }
0x67: {  	[sflag:s0] =	ssyncadd.s32 @!p0 s1  }
0x68: {  	[bflag:$0x3] =	sbarrier.arrive $0xFFFF  }
0x69: {  	_ =	shalt  }

// kernel: sparse-core-data-format-call.cloned.1.call-start
scs
called_computation_lowered:
.L_overlay_start_0:
0x0: {  	s2 =	sld [smem:$0x3FD9]  }
0x1: {  	s3 =	sld [smem:$0x3FFE];
	_ =	sdelay $0x1  }
0x2: {  	s1 =	srdreg.scid  }
0x3: {  	s0 =	sand.u32 $0x1, s1  }
0x4: {  	s18 =	sshll.u32 s0, $0xA;
	s2 =	sadd.s32 s3, s2  }
0x5: {  	s2 =	sadd.s32 s2, s18  }
0x6: {  	[smem:$0x3FC6] =	sst s2  }
0x7: {  	_ = 	snop  }
0x8: {  	s2 =	sld [smem:$0x3FD0];
	(tm) =	ssettm $0x1  }
0x9: {  	s19 =	sld [smem:$0x3FFB];
	_ =	sdelay $0x3  }
0xa: {  	_ =	strace s19  }
0xb: {  	s3 =	sld [smem:$0x3FFC];
	_ =	sdelay $0x3  }
0xc: {  	_ =	strace s3  }
0xd: {  	s3 =	sld [smem:$0x3FFD];
	_ =	sdelay $0x3  }
0xe: {  	_ =	strace s3  }
0xf: {  	_ =	strace $0x8FFFFFFF  }
0x10: {  	s20 =	sld [smem:$0x3FDB];
	_ =	sdelay $0x1  }
0x11: {  	s4 =	simm.s32 $_scs_section_size  }
0x12: {  	s5 =	simm.s32 $_size__tile_overlayer_lowered;
	s6 =	simm.s32 $_tile_overlayer_lowered  }
0x13: {  	s23 =	simm.s32 $0x1BFF;
	s22 =	sshll.u32 s6, $0x1;
	s3 =	sadd.s32 s4, s20  }
0x14: {  	s7 =	simm.s32 $0x0;
	s21 =	sshll.u32 s5, $0x1;
	s5 =	sadd.s32 s22, s3  }
0x15: {  	[timem:s7], [sflag:s23] =	dma.local [hbm:s5], s21  }
0x16: {  	_ =	swait.ge [sflag:s23], s21  }
0x17: {  	s4 =	ssub.s32 $0x0, s21;
	[sflag:s23] =	ssyncset.done $0x0  }
0x18: {  	[sflag:s23] =	ssyncadd.s32 s4;
	_ =	sdelay $0x1  }
0x19: {  	s24 =	simm.s32 $0x1B8B  }
0x1a: {  	_ =	swait.ge [sflag:s24], $0x1  }
0x1b: {  	[sflag:s24] =	ssyncset.done $0x0  }
0x1c: {  	s26 =	simm.s32 $0x1B8E;
	s25 =	sld [smem:$0x3FFE];
	[sflag:s24] =	ssyncadd.s32 $0xFFFFFFFF  }
0x1d: {  	s27 =	simm.s32 $execute0_lowered;
	[smem:$0x3FD2] =	sst s26  }
0x1e: {  	s5 =	sshll.u32 s27, $0x1;
	_ =	strace $0x8000004C;
	[dreg:$0x1] =	wrdreg $0xFFFFFFFF  }
0x1f: {  	s28 =	simm.s32 $_size_execute0_lowered;
	s3 =	sadd.s32 s3, s5;
	[dreg:$0x0] =	wrdreg $0x0  }
0x20: {  	s5 =	sshll.u32 s28, $0x1;
	[dreg:$0x2] =	wrdreg s3  }
0x21: {  	[dreg:$0x3] =	wrdreg s5  }
0x22: {  	[dreg:$0x4] =	wrdreg $0xC0  }
0x23: {  	_ =	task [dreg:s7], $0x5FFFF  }
0x24: {  	[dreg:$0x1] =	wrdreg $0xFFFFFFFF  }
0x25: {  	[dreg:$0x0] =	wrdreg $0x60  }
0x26: {  	[dreg:$0x2] =	wrdreg s25  }
0x27: {  	[dreg:$0x3] =	wrdreg s2  }
0x28: {  	[dreg:$0x4] =	wrdreg $0x9  }
0x29: {  	_ =	task.clear_ibuf [dreg:s7], $0x5FFFF;
	_ =	strace $0x9000004C  }
0x2a: {  	s29 =	simm.s32 $0x9;
	_ =	strace $0x8000004E  }
0x2b: {  	_ =	swait.ge [sflag:s29], $0x1  }
0x2c: {  	[sflag:s29] =	ssyncadd.s32 $0xFFFFFFFF  }
0x2d: {  	_ =	strace $0x9000004E  }
0x2e: {  	_ =	sfence  }
0x2f: {  	s30 =	sld [smem:$0x0];
	_ =	sdelay $0x2  }
0x30: {  	s31 =	sshll.u32 s1, $0xD;
	s1 =	sshrl.u32 s1, $0x2  }
0x31: {  	s3 =	sand.u32 $0x4000, s31;
	s1 =	sadd.s32 s1, s30  }
0x32: {  	s0 =	sor.u32 s3, s0;
	s1 =	sshll.u32 s1, $0x11  }
0x33: {  	s0 =	sor.u32 s1, s0  }
0x34: {  	s0 =	sadd.s32 $0x8F2B, s0  }
0x35: {  	[sflag:s0] =	ssyncadd.remote.s32 $0x1  }
0x36: {  	_ =	sfence.sel $0xFFFF  }
0x37: {  	[dreg:$0x0] =	wrdreg $0xFFFFFFFF;
	(pc) =	sbr.abs _section_cstart, $3  }
0x38: {  	[dreg:$0x1] =	wrdreg $0xFFFFFFFF  }
0x39: {  	_ =	task.clear_ibuf [dreg:s7], $0x2FFFF;
	_ =	strace $0x9FFFFFFF  }
0x3a: {  	(tm) =	ssettm $0x7FFFFFFF  }
0x3b: {  	_ =	shalt  }
tec
execute0_lowered:
.L_overlay_start_1:
0x0: {  	(tag) =	ssettag $0x1  }
0x1: {  	s0 =	srdreg.scid  }
0x2: {  	s1 =	sshll.u32 s0, $0x4  }
0x3: {  	s0 =	stileid.u32;
	s1 =	sand.u32 $0x10, s1  }
0x4: {  	s1 =	sor.u32 s0, s1  }
0x5: {  	s6 =	rddreg [dreg:$0x0];
	s4 =	simm.s32 $0x1;
	s2 =	sshll.u32 s1, $0x7  }
0x6: {  	s7 =	simm.s32 $0x2;
	s12 =	simm.s32 $0x0;
	s1 =	ssub.s32 $0x4000, s2  }
0x7: {  	s8 =	simm.s32 $0x20000;
	s13 =	simm.s32 $0x0;
	s3 =	sand.u32 $0xF80, s1  }
0x8: {  	s9 =	simm.s32 $0x0;
	s5 =	sshrl.u32 s1, $0xC;
	p0 =	sne.s32 s3, $0x0  }
.Ltmp0:
0x9: {  	s1 =	rddreg [dreg:$0x2];
	s4 =	simm.s32 @!p0 $0x0;
	(pc) =	sbr.rel .LBB1_1-.Ltmp0, $4  }
0xa: {  	s11 =	simm.s32 $0x0;
	s3 =	rddreg [dreg:$0x1];
	s5 =	sadd.s32 s4, s5  }
0xb: {  	_ =	strace $0x8000004D;
	s4 =	simm.s32 $0x1;
	s5 =	smul.u32 $0x1A, s5  }
0xc: {  	s6 =	sadd.s32 $0xE00, s6;
	s10 =	smov.u32 s2;
	[sflag:s4] =	ssyncpa.u1 $0x0  }
0xd: {  	p0 =	por $0x0, $0x0;
	[sflag:s7] =	ssyncpa.u1 $0x0;
	s7 =	sor.u32 $0x1, s5  }
.LBB1_4:
0xe: {  	s16 =	sshll.u32 s13, $0x3;
	s17 =	sand.u32 $0x78, s13  }
0xf: {  	s30 =	sand.u32 $0xF800, s13;
	s12 =	sshll.u32 s12, $0x10;
	s16 =	sand.u32 $0x3C00, s16  }
0x10: {  	s31 =	sand.u32 $0x7, s13;
	s16 =	sor.u32 s17, s16;
	s17 =	sadd.s32 s3, s30  }
0x11: {  	s13 =	sshll.u32 s31, $0x12;
	s16 =	sshrl.u32 s16, $0x3;
	s12 =	sadd.s32 s12, s17  }
0x12: {  	[tilespmem:s15+$0x0 ss:$0x81] =	vst.msk $0xffff, v0;
	s13 =	sor.u32 $0x400, s13;
	s12 =	sadd.s32 s16, s12  }
0x13: {  	[hbm4b:s12+s13] =	stream.strided.scatter [tilespmem:s14], [sflag:$0x2], $0x1000, s8, s13, $0x20;
	[tilespmem:$0x4040] =	vst v63  }
.LBB1_5:
0x14: {  	s14 =	sadd.s32 $0x1, s9  }
0x15: {  	s12 =	sadd.s32 $0x1000, s10;
	s16 =	smov.u32 s10;
	p2 =	sgt.s32 s14, $0x19  }
0x16: {  	s16 =	smov.u32 @p2 s12  }
0x17: {  	s14 =	simm.s32 @p2 $0x0;
	p2 =	sgt.s32 s16, $0x3FFF  }
0x18: {  	s16 =	smov.u32 @p2 s2;
	p2 =	sne.s32 s11, s7  }
.Ltmp1:
0x19: {  	p1 =	slt.u32 s11, $0x2;
	(pc) =	sbr.rel @!p2 .LBB1_6-.Ltmp1, $4  }
0x1a: {  	s15 =	simm.s32 @!p1 $0x2  }
0x1b: {  	s13 =	smov.u32 s10;
	p0 =	por !p0, !p0;
	_ =	swait.ge @!p1 [sflag:s15], $0x1000  }
0x1c: {  	s12 =	smov.u32 s9;
	[sflag:s15] =	ssyncset.done @!p1 $0x0;
	s9 =	smov.u32 s14  }
0x1d: {  	s11 =	sadd.s32 $0x1, s11;
	[sflag:s15] =	ssyncadd.s32 @!p1 $0xFFFFF000;
	s10 =	smov.u32 s16  }
.LBB1_1:
0x1e: {  	p1 =	sge.u32 s11, s5  }
0x1f: {  	s31 =	sadd.s32 $0xFFFFFFFF, s11;
	s14 =	sxor.u32 @!p1 $0xFFFFFFFF, s11  }
0x20: {  	s15 =	sshll.u32 @!p1 s10, $0x9;
	s16 =	sshll.u32 @!p1 s9, $0x4;
	s17 =	simm.s32 @!p1 $0x1000  }
0x21: {  	s14 =	sshll.u32 @!p1 s14, $0xC;
	s16 =	sand.u32 @!p1 $0x1F0, s16;
	s15 =	sadd.s32 @!p1 s6, s15  }
0x22: {  	s14 =	sand.u32 @!p1 $0x1000, s14;
	s15 =	sadd.s32 @!p1 s16, s15;
	s16 =	simm.s32 @!p1 $0x20  }
0x23: {  	[tilespmem:s14], [sflag:$0x1] =	stream.strided.gather @!p1 [hbm4b:s15+s16], $0x1000, s17, s16, $0x38;
	[tilespmem:$0x4040] =	vst v63  }
0x24: {  	p1 =	sge.u32 s31, s5  }
.Ltmp2:
0x25: {  	_ = 	snop;
	(pc) =	sbr.rel @p1 .LBB1_5-.Ltmp2, $1  }
0x26: {  	_ =	sdelay $0x3  }
0x27: {  	s14 =	simm.s32 $0x1  }
0x28: {  	_ =	swait.ge [sflag:s4], $0x1000;
	s14 =	simm.s32 @!p0 $0x0  }
0x29: {  	[sflag:s4] =	ssyncset.done $0x0;
	s15 =	sshll.u32 s14, $0xC  }
0x2a: {  	[sflag:s4] =	ssyncadd.s32 $0xFFFFF000;
	s18 =	sor.u32 $0x10, s15  }
0x2b: {  	s14 =	smul.u32 $0x4080, s14;
	v1 =	vld [tilespmem:s18+$0x0]  }
0x2c: {  	s30 =	sand.u32 $0x1, s11;
	v0 =	vld [tilespmem:s18+$0xFFFFFFF0]  }
0x2d: {  	s15 =	smul.u32 $0x4080, s30;
	s14 =	sshrl.u32 s14, $0x2  }
0x2e: {  	s16 =	sor.u32 $0x2000, s14  }
0x2f: {  	s31 =	sshrl.u32 s15, $0x2;
	s15 =	sadd.s32 $0x0, s16  }
0x30: {  	s17 =	simm.s32 $0x4;
	s18 =	sadd.s32 $0x20, s18;
	s14 =	sor.u32 $0x2000, s31;
	[tilespmem:s15+$0x810 ss:$0x81] =	vst.msk $0xffff, v1  }
.LBB1_3:
0x31: {  	v1 =	vld [tilespmem:s18+$0x0];
	p1 =	sne.s32 s17, $0x1FC;
	[tilespmem:s15+$0x0 ss:$0x81] =	vst.msk $0xffff, v0;
	s15 =	smov.u32 s17;
	s17 =	sadd.s32 $0x4, s17  }
.Ltmp3:
0x32: {  	v0 =	vld [tilespmem:s18+$0xFFFFFFF0];
	(pc) =	sbr.rel @p1 .LBB1_3-.Ltmp3, $4  }
0x33: {  	_ = 	snop  }
0x34: {  	s15 =	sshra.s32 s15, $0x2  }
0x35: {  	s15 =	sadd.s32 s15, s16  }
0x36: {  	s18 =	sadd.s32 $0x20, s18;
	[tilespmem:s15+$0x810 ss:$0x81] =	vst.msk $0xffff, v1  }
.Ltmp4:
0x37: {  	_ = 	snop;
	(pc) =	sbr.rel .LBB1_4-.Ltmp4, $1  }
0x38: {  	_ =	sdelay $0x3  }
.LBB1_6:
0x39: {  	_ =	sfence.sel $0x180000  }
0x3a: {  	s2 =	simm.s32 $0x1;
	[bflag:$0x0] =	sbarrier.arrive $0xFFFF  }
0x3b: {  	s31 =	simm.s32 $0x2;
	[sflag:s2] =	ssyncpa.u1 $0x1  }
0x3c: {  	[sflag:s31] =	ssyncpa.u1 $0x1  }
0x3d: {  	p0 =	sne.s32 s0, $0x0;
	_ =	strace $0x9000004D  }
0x3e: {  	s0 =	sadd.s32 @!p0 $0x100000, s1;
	[bflag:$0x2] =	sbarrier.arrive $0xFFFF  }
0x3f: {  	[sflag:s0] =	ssyncadd.tile.s32 @!p0 $0x1;
	_ =	shalt  }
.Lfunc_end1:
_tile_overlayer_lowered:
.L_overlay_start_2:
0x40: {  	(tag) =	ssettag $0x2  }
0x41: {  	s0 =	rddreg [dreg:$0x0];
	s2 =	stileid.u32  }
0x42: {  	s1 =	rddreg [dreg:$0x1];
	p0 =	sne.s32 s2, $0x0  }
0x43: {  	s3 =	rddreg [dreg:$0x2];
	[bflag:$0x3] =	sbarrier.arrive $0xFFFF;
	s2 =	simm.s32 @!p0 $0x1C01  }
0x44: {  	[timem:s3], [sflag:s2] =	dma.local @!p0 [hbm:s0], s1  }
0x45: {  	s0 =	simm.s32 @!p0 $0x1  }
0x46: {  	_ =	swait.ge @!p0 [sflag:s0], s1  }
0x47: {  	s1 =	ssub.s32 @!p0 $0x0, s1;
	[sflag:s0] =	ssyncset.done @!p0 $0x0  }
0x48: {  	[sflag:s0] =	ssyncadd.s32 @!p0 s1  }
0x49: {  	[bflag:$0x3] =	sbarrier.arrive $0xFFFF  }
0x4a: {  	_ =	shalt  }

</sc_bundles>
